<compile_context>
chip_gen: v7x
topology: tpu7x:2x2x1
jax: 0.10.2.dev20260603
libtpu: 0.0.44.dev20260713+nightly
codegen_flags: <defaults>
</compile_context>

<pallas_src>
import jax
import jax.numpy as jnp
from jax import lax
from jax.experimental import pallas as pl
from jax.experimental.pallas import tpu as pltpu
from jax.experimental.pallas import tpu_sc as plsc

VOCAB_N = 100000
EMBED_N = 128
BATCH_N = 1024
TGT_N = 20

TOPW_N = 4096
BAND_N = 2048
DEEP_S = 5


def _build_perm():
  import numpy as np
  perm = np.zeros(TOPW_N, dtype=np.int32)
  for lvl in range(0, 12):
    n = 1 << lvl
    q = np.arange(n)
    rev = np.zeros(n, dtype=np.int64)
    for i in range(lvl):
      rev = (rev << 1) | ((q >> i) & 1)
    perm[n - 1: 2 * n - 1] = (n + rev) - 1
  perm[TOPW_N - 1] = 0
  return perm

_PERM = _build_perm()

NCORES = 2
NSUB = 16
LANES = 16
NWORKERS = NCORES * NSUB
BPW = BATCH_N // NWORKERS
ROWS = TGT_N * DEEP_S
ROWS_PAD = 112
NGROUPS = ROWS_PAD // LANES
KPAD = 32
ECHUNKS = EMBED_N // LANES
BBLK = 256


def _sigmoid(z):
  return 1.0 / (1.0 + jnp.exp(-z))


def _top_body(x_ref, w_ref, o_ref):
  logits = lax.dot_general(x_ref[...], w_ref[...],
                           (((1,), (1,)), ((), ())),
                           preferred_element_type=jnp.float32)
  s = _sigmoid(logits)
  p = s[:, 0:1]
  for lvl in range(1, 12):
    base = 2 ** lvl - 1
    p = jnp.concatenate([p, p], axis=1) * s[:, base:base + 2 ** lvl]
  o_ref[...] = p


def _sc_body(x_hbm, ids_hbm, pos_hbm, w_hbm, top_hbm, out_hbm,
             ids_v, pos_v, idx_v0, idx_v1, rows_v0, rows_v1, band_v0,
             band_v1, x_v0, x_v1, acc_v, logits_v, probs_v, sem0, sem1):
  wid = lax.axis_index("s") * NCORES + lax.axis_index("c")
  iota = lax.iota(jnp.int32, LANES)
  idx_b = (idx_v0, idx_v1)
  rows_b = (rows_v0, rows_v1)
  band_b = (band_v0, band_v1)
  x_b = (x_v0, x_v1)
  sems = (sem0, sem1)

  pltpu.sync_copy(ids_hbm.at[pl.ds(wid * (BPW * TGT_N), BPW * TGT_N)], ids_v)
  pltpu.sync_copy(pos_hbm.at[pl.ds(wid * (BPW * TGT_N), BPW * TGT_N)], pos_v)

  def _issue(bl, buf):
    base = bl * TGT_N
    v0 = plsc.load_gather(ids_v, [base + iota])
    v1 = plsc.load_gather(ids_v, [base + 16 + jnp.minimum(iota, 3)])

    @pl.loop(0, DEEP_S, init_carry=(v0 + VOCAB_N, v1 + VOCAB_N))
    def _build(si, carry):
      a, b = carry
      a = lax.shift_right_logical(a, 1)
      b = lax.shift_right_logical(b, 1)
      plsc.store_scatter(idx_b[buf], [si * TGT_N + iota], a - 1)
      plsc.store_scatter(idx_b[buf], [si * TGT_N + 16 + iota], b - 1,
                         mask=iota < 4)
      return a, b

    bg = wid * BPW + bl
    pltpu.async_copy(w_hbm.at[idx_b[buf]], rows_b[buf], sems[buf])
    pltpu.async_copy(top_hbm.at[pl.ds(bg, 1)], band_b[buf], sems[buf])
    pltpu.async_copy(x_hbm.at[pl.ds(bg, 1)], x_b[buf], sems[buf])

  def _wait(buf):
    pltpu.make_async_copy(w_hbm.at[idx_b[buf]], rows_b[buf],
                          sems[buf]).wait()
    pltpu.make_async_copy(top_hbm.at[pl.ds(0, 1)], band_b[buf],
                          sems[buf]).wait()
    pltpu.make_async_copy(x_hbm.at[pl.ds(0, 1)], x_b[buf],
                          sems[buf]).wait()

  def _compute(bl, buf):
    base = bl * TGT_N
    xr = [x_b[buf][0, pl.ds(c * LANES, LANES)] for c in range(ECHUNKS)]

    @pl.loop(0, ROWS)
    def _dot(r):
      a = rows_b[buf][r, pl.ds(0, LANES)] * xr[0]
      for c in range(1, ECHUNKS):
        a = a + rows_b[buf][r, pl.ds(c * LANES, LANES)] * xr[c]
      plsc.store_scatter(acc_v, [r * LANES + iota], a)

    @pl.loop(0, NGROUPS)
    def _reduce(g):
      rowbase = (g * LANES + iota) * LANES
      t = plsc.load_gather(acc_v, [rowbase])
      for j in range(1, LANES):
        t = t + plsc.load_gather(acc_v, [rowbase + j])
      plsc.store_scatter(logits_v, [g * LANES + iota], t)

    zl = jnp.zeros((LANES,), jnp.int32)
    pos0 = plsc.load_gather(pos_v, [base + iota])
    pos1 = plsc.load_gather(pos_v, [base + 16 + jnp.minimum(iota, 3)])
    p0 = plsc.load_gather(band_b[buf], [zl, pos0])
    p1 = plsc.load_gather(band_b[buf], [zl, pos1])

    @pl.loop(0, DEEP_S - 1, init_carry=(p0, p1))
    def _prod(si, carry):
      q0, q1 = carry
      l0 = plsc.load_gather(logits_v, [si * TGT_N + iota])
      l1 = plsc.load_gather(logits_v, [si * TGT_N + 16 + iota])
      return q0 * _sigmoid(l0), q1 * _sigmoid(l1)

    p0, p1 = _prod
    v0 = plsc.load_gather(ids_v, [base + iota])
    v1 = plsc.load_gather(ids_v, [base + 16 + jnp.minimum(iota, 3)])
    l5_0 = plsc.load_gather(logits_v, [(DEEP_S - 1) * TGT_N + iota])
    l5_1 = plsc.load_gather(logits_v, [(DEEP_S - 1) * TGT_N + 16 + iota])
    p0 = p0 * jnp.where(v0 + VOCAB_N >= 131072, _sigmoid(l5_0), 1.0)
    p1 = p1 * jnp.where(v1 + VOCAB_N >= 131072, _sigmoid(l5_1), 1.0)
    probs_v[bl, pl.ds(0, LANES)] = p0
    probs_v[bl, pl.ds(LANES, LANES)] = p1

  _issue(jnp.int32(0), 0)

  @pl.loop(0, BPW, step=2)
  def _pair(bl):
    _issue(bl + 1, 1)
    _wait(0)
    _compute(bl, 0)

    @pl.when(bl + 2 < BPW)
    def _():
      _issue(bl + 2, 0)

    _wait(1)
    _compute(bl + 1, 1)

  pltpu.sync_copy(probs_v, out_hbm.at[pl.ds(wid * BPW, BPW)])


@jax.jit
def _hsm(x, ids_flat, w):
  w_perm = jnp.take(w, jnp.asarray(_PERM), axis=0)
  h = ids_flat + VOCAB_N
  m = jnp.where(h >= 131072, lax.shift_right_logical(h, 6),
                lax.shift_right_logical(h, 5))
  r = m - 2048
  r = ((r & 0x5555) << 1) | (lax.shift_right_logical(r, 1) & 0x5555)
  r = ((r & 0x3333) << 2) | (lax.shift_right_logical(r, 2) & 0x3333)
  r = ((r & 0x0F0F) << 4) | (lax.shift_right_logical(r, 4) & 0x0F0F)
  r = ((r & 0x00FF) << 8) | (lax.shift_right_logical(r, 8) & 0x00FF)
  pos_flat = lax.shift_right_logical(r, 5).astype(jnp.int32)
  top = pl.pallas_call(
      _top_body,
      grid=(BATCH_N // BBLK,),
      in_specs=[
          pl.BlockSpec((BBLK, EMBED_N), lambda i: (i, 0)),
          pl.BlockSpec((TOPW_N, EMBED_N), lambda i: (0, 0)),
      ],
      out_specs=pl.BlockSpec((BBLK, BAND_N), lambda i: (i, 0)),
      out_shape=jax.ShapeDtypeStruct((BATCH_N, BAND_N), jnp.float32),
  )(x, w_perm)

  fn = pl.kernel(
      _sc_body,
      out_type=jax.ShapeDtypeStruct((BATCH_N, KPAD), jnp.float32),
      mesh=plsc.VectorSubcoreMesh(
          core_axis_name="c", subcore_axis_name="s",
          num_cores=NCORES, num_subcores=NSUB),
      scratch_types=[
          pltpu.VMEM((BPW * TGT_N,), jnp.int32),
          pltpu.VMEM((BPW * TGT_N,), jnp.int32),
          pltpu.VMEM((ROWS,), jnp.int32),
          pltpu.VMEM((ROWS,), jnp.int32),
          pltpu.VMEM((ROWS, EMBED_N), jnp.float32),
          pltpu.VMEM((ROWS, EMBED_N), jnp.float32),
          pltpu.VMEM((1, BAND_N), jnp.float32),
          pltpu.VMEM((1, BAND_N), jnp.float32),
          pltpu.VMEM((1, EMBED_N), jnp.float32),
          pltpu.VMEM((1, EMBED_N), jnp.float32),
          pltpu.VMEM((ROWS_PAD * LANES,), jnp.float32),
          pltpu.VMEM((ROWS_PAD,), jnp.float32),
          pltpu.VMEM((BPW, KPAD), jnp.float32),
          pltpu.SemaphoreType.DMA,
          pltpu.SemaphoreType.DMA,
      ],
      compiler_params=pltpu.CompilerParams(needs_layout_passes=False),
  )
  return fn(x, ids_flat, pos_flat, w, top)


def kernel(inputWordVec, id_list, node_weights, path_nodes, path_mask):
  del path_nodes, path_mask
  ids = id_list.astype(jnp.int32).reshape(-1)
  out = _hsm(inputWordVec.astype(jnp.float32), ids,
             node_weights.astype(jnp.float32))
  return out[:, :TGT_N]

# --- scband reference (transcript-rebuilt; emitter-appended) ---
"""Pipeline reference for scband-hierarchical-softmax-tree-23897198035513 (READ-ONLY COPY).

The authoritative reference and input builder live on the scoring server;
editing this copy changes nothing except your own understanding.
"""

import jax, jax.numpy as jnp
import numpy as np

VOCAB = 100000
EMBED = 128
MAX_DEPTH = 18
BATCH = 1024
N_TARGETS = 20


def _build_tree_paths(vocab, max_depth):
    # Complete binary tree over `vocab` leaves, heap-indexed.
    # Leaf v lives at heap index v + vocab; internal nodes are heap indices 1..vocab-1.
    # The modules on the path from root to leaf v are the ancestors of v+vocab.
    # Module (weight row) index = heap_index - 1, in [0, vocab-2].
    node = np.arange(vocab, dtype=np.int64) + vocab
    path_nodes = np.zeros((vocab, max_depth), dtype=np.int64)
    path_mask = np.zeros((vocab, max_depth), dtype=bool)
    for d in range(max_depth):
        parent = node // 2
        valid = parent >= 1
        path_nodes[:, d] = np.where(valid, parent - 1, 0)
        path_mask[:, d] = valid
        node = np.where(valid, parent, 0)
    return path_nodes, path_mask


def setup_inputs(seed: int = 0) -> dict:
    key = jax.random.key(seed)
    k1, k2, k3 = jax.random.split(key, 3)
    inputWordVec = jax.random.normal(k1, (BATCH, EMBED), dtype=jnp.float32)
    id_list = jax.random.randint(k2, (BATCH, N_TARGETS), 0, VOCAB, dtype=jnp.int64)
    # Learned parameters: one linear module (weight vector) per internal tree node.
    node_weights = jax.random.normal(k3, (VOCAB - 1, EMBED), dtype=jnp.float32) * (1.0 / np.sqrt(EMBED))
    pn, pm = _build_tree_paths(VOCAB, MAX_DEPTH)
    return {
        "inputWordVec": inputWordVec,
        "id_list": id_list,
        "node_weights": node_weights,
        "path_nodes": jnp.asarray(pn),
        "path_mask": jnp.asarray(pm),
    }


def reference(inputWordVec, id_list, node_weights, path_nodes, path_mask):
    # forward_on_path: probability = prod over modules-on-path of sigmoid(module(x))
    nodes = path_nodes[id_list]            # [B, K, D] int
    mask = path_mask[id_list]              # [B, K, D] bool
    w = node_weights[nodes]                # [B, K, D, E] gather of path-node weights
    logits = jnp.einsum('bkde,be->bkd', w, inputWordVec)  # module(inputWordVec)
    branch_p = jax.nn.sigmoid(logits)
    branch_p = jnp.where(mask, branch_p, 1.0)  # padded path slots contribute 1
    probability = jnp.prod(branch_p, axis=-1)  # [B, K]
    return probability

if __name__ == "__main__":
    import jax
    _d = setup_inputs()
    print(jax.jit(kernel)(*tuple(_d.values())))

</pallas_src>

<mosaic_0001>
#map = affine_map<(d0, d1) -> (0, 0)>
#map1 = affine_map<(d0, d1) -> (0)>
module attributes {stable_mosaic.version = 14 : i64} {
  func.func @_sc_body(%arg0: i32, %arg1: i32, %arg2: memref<1024x128xf32, #tpu.memory_space<hbm>>, %arg3: memref<20480xi32, #tpu.memory_space<hbm>>, %arg4: memref<20480xi32, #tpu.memory_space<hbm>>, %arg5: memref<99999x128xf32, #tpu.memory_space<hbm>>, %arg6: memref<1024x2048xf32, #tpu.memory_space<hbm>>, %arg7: memref<1024x32xf32, #tpu.memory_space<hbm>>, %arg8: memref<640xi32, #tpu.memory_space<vmem>>, %arg9: memref<640xi32, #tpu.memory_space<vmem>>, %arg10: memref<100xi32, #tpu.memory_space<vmem>>, %arg11: memref<100xi32, #tpu.memory_space<vmem>>, %arg12: memref<100x128xf32, #tpu.memory_space<vmem>>, %arg13: memref<100x128xf32, #tpu.memory_space<vmem>>, %arg14: memref<1x2048xf32, #tpu.memory_space<vmem>>, %arg15: memref<1x2048xf32, #tpu.memory_space<vmem>>, %arg16: memref<1x128xf32, #tpu.memory_space<vmem>>, %arg17: memref<1x128xf32, #tpu.memory_space<vmem>>, %arg18: memref<1792xf32, #tpu.memory_space<vmem>>, %arg19: memref<112xf32, #tpu.memory_space<vmem>>, %arg20: memref<32x32xf32, #tpu.memory_space<vmem>>, %arg21: memref<!tpu.dma_semaphore, #tpu.memory_space<semaphore_mem>>, %arg22: memref<!tpu.dma_semaphore, #tpu.memory_space<semaphore_mem>>) attributes {dimension_semantics = [#tpu.dimension_semantics<core_parallel>, #tpu.dimension_semantics<subcore_parallel>], iteration_bounds = array<i64: 2, 16>, scalar_prefetch = 0 : i64, scratch_operands = 15 : i64, tpu.core_type = #tpu.core_type<sc_vector_subcore>, window_params = [{transform_indices = #map}, {transform_indices = #map1}, {transform_indices = #map1}, {transform_indices = #map}, {transform_indices = #map}, {transform_indices = #map}]} {
    %mul3A = arith.constant 2 : i32
    %mul3A_0 = arith.muli %arg1, %mul3A : i32
    %add3A = arith.addi %mul3A_0, %arg0 : i32
    %iota3A = tpu.iota {dimensions = array<i32: 0>} : vector<16xi32>
    %mul3A_1 = arith.constant 640 : i32
    %mul3A_2 = arith.muli %add3A, %mul3A_1 : i32
    "tpu.region"() ({
      %run_scoped3A = tpu.sem_alloc : memref<!tpu.dma_semaphore, #tpu.memory_space<semaphore_mem>>
      %dma_start3A_49 = tpu.memref_slice %arg3[%mul3A_2] : memref<20480xi32, #tpu.memory_space<hbm>> -> memref<640xi32, #tpu.memory_space<hbm>>
      %dma_start3A_50 = tpu.memref_slice %arg3[%mul3A_2] : memref<20480xi32, #tpu.memory_space<hbm>> -> memref<640xi32, #tpu.memory_space<hbm>>
      tpu.enqueue_dma source(%dma_start3A_50 : memref<640xi32, #tpu.memory_space<hbm>>) target(%arg8 : memref<640xi32, #tpu.memory_space<vmem>>) target_semaphore(%run_scoped3A : memref<!tpu.dma_semaphore, #tpu.memory_space<semaphore_mem>>)
      %dma_wait3A = tpu.memref_slice %arg3[%mul3A_2] : memref<20480xi32, #tpu.memory_space<hbm>> -> memref<640xi32, #tpu.memory_space<hbm>>
      %dma_wait3A_51 = tpu.memref_slice %arg3[%mul3A_2] : memref<20480xi32, #tpu.memory_space<hbm>> -> memref<640xi32, #tpu.memory_space<hbm>>
      tpu.wait_dma2 semaphore(%run_scoped3A : memref<!tpu.dma_semaphore, #tpu.memory_space<semaphore_mem>>) src(%dma_wait3A_51 : memref<640xi32, #tpu.memory_space<hbm>>) dst(%arg8 : memref<640xi32, #tpu.memory_space<vmem>>)
      tpu.yield
    }) : () -> ()
    %mul3A_3 = arith.constant 640 : i32
    %mul3A_4 = arith.muli %add3A, %mul3A_3 : i32
    "tpu.region"() ({
      %run_scoped3A = tpu.sem_alloc : memref<!tpu.dma_semaphore, #tpu.memory_space<semaphore_mem>>
      %dma_start3A_49 = tpu.memref_slice %arg4[%mul3A_4] : memref<20480xi32, #tpu.memory_space<hbm>> -> memref<640xi32, #tpu.memory_space<hbm>>
      %dma_start3A_50 = tpu.memref_slice %arg4[%mul3A_4] : memref<20480xi32, #tpu.memory_space<hbm>> -> memref<640xi32, #tpu.memory_space<hbm>>
      tpu.enqueue_dma source(%dma_start3A_50 : memref<640xi32, #tpu.memory_space<hbm>>) target(%arg9 : memref<640xi32, #tpu.memory_space<vmem>>) target_semaphore(%run_scoped3A : memref<!tpu.dma_semaphore, #tpu.memory_space<semaphore_mem>>)
      %dma_wait3A = tpu.memref_slice %arg4[%mul3A_4] : memref<20480xi32, #tpu.memory_space<hbm>> -> memref<640xi32, #tpu.memory_space<hbm>>
      %dma_wait3A_51 = tpu.memref_slice %arg4[%mul3A_4] : memref<20480xi32, #tpu.memory_space<hbm>> -> memref<640xi32, #tpu.memory_space<hbm>>
      tpu.wait_dma2 semaphore(%run_scoped3A : memref<!tpu.dma_semaphore, #tpu.memory_space<semaphore_mem>>) src(%dma_wait3A_51 : memref<640xi32, #tpu.memory_space<hbm>>) dst(%arg9 : memref<640xi32, #tpu.memory_space<vmem>>)
      tpu.yield
    }) : () -> ()
    %mul3A_5 = arith.constant 0 : i32
    %mul3A_6 = arith.constant 20 : i32
    %mul3A_7 = arith.muli %mul3A_5, %mul3A_6 : i32
    %add3A_8 = vector.broadcast %mul3A_7 : i32 to vector<16xi32>
    %add3A_9 = arith.addi %add3A_8, %iota3A : vector<16xi32>
    %gather3A = tpu.vector_load_idx %arg8[%add3A_9] : memref<640xi32, #tpu.memory_space<vmem>>[vector<16xi32>], vector<16xi32>,
    %add3A_10 = arith.constant 16 : i32
    %add3A_11 = arith.addi %mul3A_7, %add3A_10 : i32
    %min3A = arith.constant 3 : i32
    %min3A_12 = vector.broadcast %min3A : i32 to vector<16xi32>
    %min3A_13 = arith.minsi %iota3A, %min3A_12 : vector<16xi32>
    %add3A_14 = vector.broadcast %add3A_11 : i32 to vector<16xi32>
    %add3A_15 = arith.addi %add3A_14, %min3A_13 : vector<16xi32>
    %gather3A_16 = tpu.vector_load_idx %arg8[%add3A_15] : memref<640xi32, #tpu.memory_space<vmem>>[vector<16xi32>], vector<16xi32>,
    %add3A_17 = arith.constant 100000 : i32
    %add3A_18 = vector.broadcast %add3A_17 : i32 to vector<16xi32>
    %add3A_19 = arith.addi %gather3A, %add3A_18 : vector<16xi32>
    %add3A_20 = arith.constant 100000 : i32
    %add3A_21 = vector.broadcast %add3A_20 : i32 to vector<16xi32>
    %add3A_22 = arith.addi %gather3A_16, %add3A_21 : vector<16xi32>
    %scan3A = arith.constant 0 : i32
    %scan3A_23 = arith.constant 5 : i32
    %scan3A_24 = arith.addi %scan3A, %scan3A_23 : i32
    %scan3A_25 = arith.constant 1 : i32
    %scan3A_26:2 = scf.for %scan3A_49 = %scan3A to %scan3A_24 step %scan3A_25 iter_args(%scan3A_50 = %add3A_19, %scan3A_51 = %add3A_22) -> (vector<16xi32>, vector<16xi32>)  : i32 {
      %mul3A_52 = arith.constant 1 : i32
      %mul3A_53 = arith.muli %scan3A_49, %mul3A_52 : i32
      %add3A_54 = arith.constant 0 : i32
      %add3A_55 = arith.addi %add3A_54, %mul3A_53 : i32
      %shift_right_logical3A = arith.constant 1 : i32
      %shift_right_logical3A_56 = vector.broadcast %shift_right_logical3A : i32 to vector<16xi32>
      %shift_right_logical3A_57 = arith.shrui %scan3A_50, %shift_right_logical3A_56 : vector<16xi32>
      %shift_right_logical3A_58 = arith.constant 1 : i32
      %shift_right_logical3A_59 = vector.broadcast %shift_right_logical3A_58 : i32 to vector<16xi32>
      %shift_right_logical3A_60 = arith.shrui %scan3A_51, %shift_right_logical3A_59 : vector<16xi32>
      %mul3A_61 = arith.constant 20 : i32
      %mul3A_62 = arith.muli %add3A_55, %mul3A_61 : i32
      %add3A_63 = vector.broadcast %mul3A_62 : i32 to vector<16xi32>
      %add3A_64 = arith.addi %add3A_63, %iota3A : vector<16xi32>
      %sub3A = arith.constant 1 : i32
      %sub3A_65 = vector.broadcast %sub3A : i32 to vector<16xi32>
      %sub3A_66 = arith.subi %shift_right_logical3A_57, %sub3A_65 : vector<16xi32>
      tpu.vector_store_idx %arg10[%add3A_64], %sub3A_66 : memref<100xi32, #tpu.memory_space<vmem>>[vector<16xi32>], vector<16xi32>,
      %mul3A_67 = arith.constant 20 : i32
      %mul3A_68 = arith.muli %add3A_55, %mul3A_67 : i32
      %add3A_69 = arith.constant 16 : i32
      %add3A_70 = arith.addi %mul3A_68, %add3A_69 : i32
      %add3A_71 = vector.broadcast %add3A_70 : i32 to vector<16xi32>
      %add3A_72 = arith.addi %add3A_71, %iota3A : vector<16xi32>
      %sub3A_73 = arith.constant 1 : i32
      %sub3A_74 = vector.broadcast %sub3A_73 : i32 to vector<16xi32>
      %sub3A_75 = arith.subi %shift_right_logical3A_60, %sub3A_74 : vector<16xi32>
      %lt3A = arith.constant 4 : i32
      %lt3A_76 = vector.broadcast %lt3A : i32 to vector<16xi32>
      %lt3A_77 = arith.cmpi slt, %iota3A, %lt3A_76 : vector<16xi32>
      tpu.vector_store_idx %arg10[%add3A_72], %sub3A_75 masked %lt3A_77 : memref<100xi32, #tpu.memory_space<vmem>>[vector<16xi32>], vector<16xi32>, vector<16xi1>
      scf.yield %shift_right_logical3A_57, %shift_right_logical3A_60 : vector<16xi32>, vector<16xi32>
    }
    %scan3A_27 = arith.constant 5 : i32
    %mul3A_28 = arith.constant 32 : i32
    %mul3A_29 = arith.muli %add3A, %mul3A_28 : i32
    %add3A_30 = arith.constant 0 : i32
    %add3A_31 = arith.addi %mul3A_29, %add3A_30 : i32
    %dma_start3A = arith.constant 0 : i32
    %dma_start3A_32 = arith.constant 0 : i32
    %dma_start3A_33 = tpu.memref_slice %arg5[%dma_start3A, %dma_start3A_32] : memref<99999x128xf32, #tpu.memory_space<hbm>> -> memref<99999x128xf32, #tpu.memory_space<hbm>>
    tpu.enqueue_indirect_dma source(%dma_start3A_33 : memref<99999x128xf32, #tpu.memory_space<hbm>>) target(%arg12 : memref<100x128xf32, #tpu.memory_space<vmem>>) offsets(%arg10 : memref<100xi32, #tpu.memory_space<vmem>>) semaphore(%arg21 : memref<!tpu.dma_semaphore, #tpu.memory_space<semaphore_mem>>)
    %dma_start3A_34 = arith.constant 0 : i32
    %dma_start3A_35 = tpu.memref_slice %arg6[%add3A_31, %dma_start3A_34] : memref<1024x2048xf32, #tpu.memory_space<hbm>> -> memref<1x2048xf32, #tpu.memory_space<hbm>>
    %dma_start3A_36 = arith.constant 0 : i32
    %dma_start3A_37 = tpu.memref_slice %arg6[%add3A_31, %dma_start3A_36] : memref<1024x2048xf32, #tpu.memory_space<hbm>> -> memref<1x2048xf32, #tpu.memory_space<hbm>>
    tpu.enqueue_dma source(%dma_start3A_37 : memref<1x2048xf32, #tpu.memory_space<hbm>>) target(%arg14 : memref<1x2048xf32, #tpu.memory_space<vmem>>) target_semaphore(%arg21 : memref<!tpu.dma_semaphore, #tpu.memory_space<semaphore_mem>>)
    %dma_start3A_38 = arith.constant 0 : i32
    %dma_start3A_39 = tpu.memref_slice %arg2[%add3A_31, %dma_start3A_38] : memref<1024x128xf32, #tpu.memory_space<hbm>> -> memref<1x128xf32, #tpu.memory_space<hbm>>
    %dma_start3A_40 = arith.constant 0 : i32
    %dma_start3A_41 = tpu.memref_slice %arg2[%add3A_31, %dma_start3A_40] : memref<1024x128xf32, #tpu.memory_space<hbm>> -> memref<1x128xf32, #tpu.memory_space<hbm>>
    tpu.enqueue_dma source(%dma_start3A_41 : memref<1x128xf32, #tpu.memory_space<hbm>>) target(%arg16 : memref<1x128xf32, #tpu.memory_space<vmem>>) target_semaphore(%arg21 : memref<!tpu.dma_semaphore, #tpu.memory_space<semaphore_mem>>)
    %scan3A_42 = arith.constant 0 : i32
    %scan3A_43 = arith.constant 16 : i32
    %scan3A_44 = arith.addi %scan3A_42, %scan3A_43 : i32
    %scan3A_45 = arith.constant 1 : i32
    scf.for %scan3A_49 = %scan3A_42 to %scan3A_44 step %scan3A_45  : i32 {
      %mul3A_50 = arith.constant 2 : i32
      %mul3A_51 = arith.muli %scan3A_49, %mul3A_50 : i32
      %add3A_52 = arith.constant 0 : i32
      %add3A_53 = arith.addi %add3A_52, %mul3A_51 : i32
      %add3A_54 = arith.constant 1 : i32
      %add3A_55 = arith.addi %add3A_53, %add3A_54 : i32
      %mul3A_56 = arith.constant 20 : i32
      %mul3A_57 = arith.muli %add3A_55, %mul3A_56 : i32
      %add3A_58 = vector.broadcast %mul3A_57 : i32 to vector<16xi32>
      %add3A_59 = arith.addi %add3A_58, %iota3A : vector<16xi32>
      %gather3A_60 = tpu.vector_load_idx %arg8[%add3A_59] : memref<640xi32, #tpu.memory_space<vmem>>[vector<16xi32>], vector<16xi32>,
      %add3A_61 = arith.constant 16 : i32
      %add3A_62 = arith.addi %mul3A_57, %add3A_61 : i32
      %min3A_63 = arith.constant 3 : i32
      %min3A_64 = vector.broadcast %min3A_63 : i32 to vector<16xi32>
      %min3A_65 = arith.minsi %iota3A, %min3A_64 : vector<16xi32>
      %add3A_66 = vector.broadcast %add3A_62 : i32 to vector<16xi32>
      %add3A_67 = arith.addi %add3A_66, %min3A_65 : vector<16xi32>
      %gather3A_68 = tpu.vector_load_idx %arg8[%add3A_67] : memref<640xi32, #tpu.memory_space<vmem>>[vector<16xi32>], vector<16xi32>,
      %add3A_69 = arith.constant 100000 : i32
      %add3A_70 = vector.broadcast %add3A_69 : i32 to vector<16xi32>
      %add3A_71 = arith.addi %gather3A_60, %add3A_70 : vector<16xi32>
      %add3A_72 = arith.constant 100000 : i32
      %add3A_73 = vector.broadcast %add3A_72 : i32 to vector<16xi32>
      %add3A_74 = arith.addi %gather3A_68, %add3A_73 : vector<16xi32>
      %scan3A_75 = arith.constant 0 : i32
      %scan3A_76 = arith.constant 5 : i32
      %scan3A_77 = arith.addi %scan3A_75, %scan3A_76 : i32
      %scan3A_78 = arith.constant 1 : i32
      %scan3A_79:2 = scf.for %scan3A_381 = %scan3A_75 to %scan3A_77 step %scan3A_78 iter_args(%scan3A_382 = %add3A_71, %scan3A_383 = %add3A_74) -> (vector<16xi32>, vector<16xi32>)  : i32 {
        %mul3A_384 = arith.constant 1 : i32
        %mul3A_385 = arith.muli %scan3A_381, %mul3A_384 : i32
        %add3A_386 = arith.constant 0 : i32
        %add3A_387 = arith.addi %add3A_386, %mul3A_385 : i32
        %shift_right_logical3A = arith.constant 1 : i32
        %shift_right_logical3A_388 = vector.broadcast %shift_right_logical3A : i32 to vector<16xi32>
        %shift_right_logical3A_389 = arith.shrui %scan3A_382, %shift_right_logical3A_388 : vector<16xi32>
        %shift_right_logical3A_390 = arith.constant 1 : i32
        %shift_right_logical3A_391 = vector.broadcast %shift_right_logical3A_390 : i32 to vector<16xi32>
        %shift_right_logical3A_392 = arith.shrui %scan3A_383, %shift_right_logical3A_391 : vector<16xi32>
        %mul3A_393 = arith.constant 20 : i32
        %mul3A_394 = arith.muli %add3A_387, %mul3A_393 : i32
        %add3A_395 = vector.broadcast %mul3A_394 : i32 to vector<16xi32>
        %add3A_396 = arith.addi %add3A_395, %iota3A : vector<16xi32>
        %sub3A = arith.constant 1 : i32
        %sub3A_397 = vector.broadcast %sub3A : i32 to vector<16xi32>
        %sub3A_398 = arith.subi %shift_right_logical3A_389, %sub3A_397 : vector<16xi32>
        tpu.vector_store_idx %arg11[%add3A_396], %sub3A_398 : memref<100xi32, #tpu.memory_space<vmem>>[vector<16xi32>], vector<16xi32>,
        %mul3A_399 = arith.constant 20 : i32
        %mul3A_400 = arith.muli %add3A_387, %mul3A_399 : i32
        %add3A_401 = arith.constant 16 : i32
        %add3A_402 = arith.addi %mul3A_400, %add3A_401 : i32
        %add3A_403 = vector.broadcast %add3A_402 : i32 to vector<16xi32>
        %add3A_404 = arith.addi %add3A_403, %iota3A : vector<16xi32>
        %sub3A_405 = arith.constant 1 : i32
        %sub3A_406 = vector.broadcast %sub3A_405 : i32 to vector<16xi32>
        %sub3A_407 = arith.subi %shift_right_logical3A_392, %sub3A_406 : vector<16xi32>
        %lt3A_408 = arith.constant 4 : i32
        %lt3A_409 = vector.broadcast %lt3A_408 : i32 to vector<16xi32>
        %lt3A_410 = arith.cmpi slt, %iota3A, %lt3A_409 : vector<16xi32>
        tpu.vector_store_idx %arg11[%add3A_404], %sub3A_407 masked %lt3A_410 : memref<100xi32, #tpu.memory_space<vmem>>[vector<16xi32>], vector<16xi32>, vector<16xi1>
        scf.yield %shift_right_logical3A_389, %shift_right_logical3A_392 : vector<16xi32>, vector<16xi32>
      }
      %scan3A_80 = arith.constant 5 : i32
      %mul3A_81 = arith.constant 32 : i32
      %mul3A_82 = arith.muli %add3A, %mul3A_81 : i32
      %add3A_83 = arith.addi %mul3A_82, %add3A_55 : i32
      %dma_start3A_84 = arith.constant 0 : i32
      %dma_start3A_85 = arith.constant 0 : i32
      %dma_start3A_86 = tpu.memref_slice %arg5[%dma_start3A_84, %dma_start3A_85] : memref<99999x128xf32, #tpu.memory_space<hbm>> -> memref<99999x128xf32, #tpu.memory_space<hbm>>
      tpu.enqueue_indirect_dma source(%dma_start3A_86 : memref<99999x128xf32, #tpu.memory_space<hbm>>) target(%arg13 : memref<100x128xf32, #tpu.memory_space<vmem>>) offsets(%arg11 : memref<100xi32, #tpu.memory_space<vmem>>) semaphore(%arg22 : memref<!tpu.dma_semaphore, #tpu.memory_space<semaphore_mem>>)
      %dma_start3A_87 = arith.constant 0 : i32
      %dma_start3A_88 = tpu.memref_slice %arg6[%add3A_83, %dma_start3A_87] : memref<1024x2048xf32, #tpu.memory_space<hbm>> -> memref<1x2048xf32, #tpu.memory_space<hbm>>
      %dma_start3A_89 = arith.constant 0 : i32
      %dma_start3A_90 = tpu.memref_slice %arg6[%add3A_83, %dma_start3A_89] : memref<1024x2048xf32, #tpu.memory_space<hbm>> -> memref<1x2048xf32, #tpu.memory_space<hbm>>
      tpu.enqueue_dma source(%dma_start3A_90 : memref<1x2048xf32, #tpu.memory_space<hbm>>) target(%arg15 : memref<1x2048xf32, #tpu.memory_space<vmem>>) target_semaphore(%arg22 : memref<!tpu.dma_semaphore, #tpu.memory_space<semaphore_mem>>)
      %dma_start3A_91 = arith.constant 0 : i32
      %dma_start3A_92 = tpu.memref_slice %arg2[%add3A_83, %dma_start3A_91] : memref<1024x128xf32, #tpu.memory_space<hbm>> -> memref<1x128xf32, #tpu.memory_space<hbm>>
      %dma_start3A_93 = arith.constant 0 : i32
      %dma_start3A_94 = tpu.memref_slice %arg2[%add3A_83, %dma_start3A_93] : memref<1024x128xf32, #tpu.memory_space<hbm>> -> memref<1x128xf32, #tpu.memory_space<hbm>>
      tpu.enqueue_dma source(%dma_start3A_94 : memref<1x128xf32, #tpu.memory_space<hbm>>) target(%arg17 : memref<1x128xf32, #tpu.memory_space<vmem>>) target_semaphore(%arg22 : memref<!tpu.dma_semaphore, #tpu.memory_space<semaphore_mem>>)
      %dma_wait3A = arith.constant 0 : i32
      %dma_wait3A_95 = arith.constant 0 : i32
      %dma_wait3A_96 = tpu.memref_slice %arg5[%dma_wait3A, %dma_wait3A_95] : memref<99999x128xf32, #tpu.memory_space<hbm>> -> memref<99999x128xf32, #tpu.memory_space<hbm>>
      tpu.wait_indirect_dma semaphore(%arg21 : memref<!tpu.dma_semaphore, #tpu.memory_space<semaphore_mem>>) src(%dma_wait3A_96 : memref<99999x128xf32, #tpu.memory_space<hbm>>) dst(%arg12 : memref<100x128xf32, #tpu.memory_space<vmem>>)
      %dma_wait3A_97 = arith.constant 0 : i32
      %dma_wait3A_98 = arith.constant 0 : i32
      %dma_wait3A_99 = tpu.memref_slice %arg6[%dma_wait3A_97, %dma_wait3A_98] : memref<1024x2048xf32, #tpu.memory_space<hbm>> -> memref<1x2048xf32, #tpu.memory_space<hbm>>
      %dma_wait3A_100 = arith.constant 0 : i32
      %dma_wait3A_101 = arith.constant 0 : i32
      %dma_wait3A_102 = tpu.memref_slice %arg6[%dma_wait3A_100, %dma_wait3A_101] : memref<1024x2048xf32, #tpu.memory_space<hbm>> -> memref<1x2048xf32, #tpu.memory_space<hbm>>
      tpu.wait_dma2 semaphore(%arg21 : memref<!tpu.dma_semaphore, #tpu.memory_space<semaphore_mem>>) src(%dma_wait3A_102 : memref<1x2048xf32, #tpu.memory_space<hbm>>) dst(%arg14 : memref<1x2048xf32, #tpu.memory_space<vmem>>)
      %dma_wait3A_103 = arith.constant 0 : i32
      %dma_wait3A_104 = arith.constant 0 : i32
      %dma_wait3A_105 = tpu.memref_slice %arg2[%dma_wait3A_103, %dma_wait3A_104] : memref<1024x128xf32, #tpu.memory_space<hbm>> -> memref<1x128xf32, #tpu.memory_space<hbm>>
      %dma_wait3A_106 = arith.constant 0 : i32
      %dma_wait3A_107 = arith.constant 0 : i32
      %dma_wait3A_108 = tpu.memref_slice %arg2[%dma_wait3A_106, %dma_wait3A_107] : memref<1024x128xf32, #tpu.memory_space<hbm>> -> memref<1x128xf32, #tpu.memory_space<hbm>>
      tpu.wait_dma2 semaphore(%arg21 : memref<!tpu.dma_semaphore, #tpu.memory_space<semaphore_mem>>) src(%dma_wait3A_108 : memref<1x128xf32, #tpu.memory_space<hbm>>) dst(%arg16 : memref<1x128xf32, #tpu.memory_space<vmem>>)
      %mul3A_109 = arith.constant 20 : i32
      %mul3A_110 = arith.muli %add3A_53, %mul3A_109 : i32
      %get3A = arith.constant 0 : i32
      %get3A_111 = arith.index_cast %get3A : i32 to index
      %get3A_112 = arith.constant 0 : index
      %get3A_113 = tpu.vector_load %arg16[%get3A_111, %get3A_112] {strides = array<i32>} : memref<1x128xf32, #tpu.memory_space<vmem>>, vector<16xf32>,
      %get3A_114 = arith.constant 0 : i32
      %get3A_115 = arith.index_cast %get3A_114 : i32 to index
      %get3A_116 = arith.constant 16 : index
      %get3A_117 = tpu.vector_load %arg16[%get3A_115, %get3A_116] {strides = array<i32>} : memref<1x128xf32, #tpu.memory_space<vmem>>, vector<16xf32>,
      %get3A_118 = arith.constant 0 : i32
      %get3A_119 = arith.index_cast %get3A_118 : i32 to index
      %get3A_120 = arith.constant 32 : index
      %get3A_121 = tpu.vector_load %arg16[%get3A_119, %get3A_120] {strides = array<i32>} : memref<1x128xf32, #tpu.memory_space<vmem>>, vector<16xf32>,
      %get3A_122 = arith.constant 0 : i32
      %get3A_123 = arith.index_cast %get3A_122 : i32 to index
      %get3A_124 = arith.constant 48 : index
      %get3A_125 = tpu.vector_load %arg16[%get3A_123, %get3A_124] {strides = array<i32>} : memref<1x128xf32, #tpu.memory_space<vmem>>, vector<16xf32>,
      %get3A_126 = arith.constant 0 : i32
      %get3A_127 = arith.index_cast %get3A_126 : i32 to index
      %get3A_128 = arith.constant 64 : index
      %get3A_129 = tpu.vector_load %arg16[%get3A_127, %get3A_128] {strides = array<i32>} : memref<1x128xf32, #tpu.memory_space<vmem>>, vector<16xf32>,
      %get3A_130 = arith.constant 0 : i32
      %get3A_131 = arith.index_cast %get3A_130 : i32 to index
      %get3A_132 = arith.constant 80 : index
      %get3A_133 = tpu.vector_load %arg16[%get3A_131, %get3A_132] {strides = array<i32>} : memref<1x128xf32, #tpu.memory_space<vmem>>, vector<16xf32>,
      %get3A_134 = arith.constant 0 : i32
      %get3A_135 = arith.index_cast %get3A_134 : i32 to index
      %get3A_136 = arith.constant 96 : index
      %get3A_137 = tpu.vector_load %arg16[%get3A_135, %get3A_136] {strides = array<i32>} : memref<1x128xf32, #tpu.memory_space<vmem>>, vector<16xf32>,
      %get3A_138 = arith.constant 0 : i32
      %get3A_139 = arith.index_cast %get3A_138 : i32 to index
      %get3A_140 = arith.constant 112 : index
      %get3A_141 = tpu.vector_load %arg16[%get3A_139, %get3A_140] {strides = array<i32>} : memref<1x128xf32, #tpu.memory_space<vmem>>, vector<16xf32>,
      %scan3A_142 = arith.constant 0 : i32
      %scan3A_143 = arith.constant 100 : i32
      %scan3A_144 = arith.addi %scan3A_142, %scan3A_143 : i32
      %scan3A_145 = arith.constant 1 : i32
      scf.for %scan3A_381 = %scan3A_142 to %scan3A_144 step %scan3A_145  : i32 {
        %mul3A_382 = arith.constant 1 : i32
        %mul3A_383 = arith.muli %scan3A_381, %mul3A_382 : i32
        %add3A_384 = arith.constant 0 : i32
        %add3A_385 = arith.addi %add3A_384, %mul3A_383 : i32
        %get3A_386 = arith.index_cast %add3A_385 : i32 to index
        %get3A_387 = arith.constant 0 : index
        %get3A_388 = tpu.vector_load %arg12[%get3A_386, %get3A_387] {strides = array<i32>} : memref<100x128xf32, #tpu.memory_space<vmem>>, vector<16xf32>,
        %mul3A_389 = arith.mulf %get3A_388, %get3A_113 : vector<16xf32>
        %get3A_390 = arith.index_cast %add3A_385 : i32 to index
        %get3A_391 = arith.constant 16 : index
        %get3A_392 = tpu.vector_load %arg12[%get3A_390, %get3A_391] {strides = array<i32>} : memref<100x128xf32, #tpu.memory_space<vmem>>, vector<16xf32>,
        %mul3A_393 = arith.mulf %get3A_392, %get3A_117 : vector<16xf32>
        %add3A_394 = arith.addf %mul3A_389, %mul3A_393 : vector<16xf32>
        %get3A_395 = arith.index_cast %add3A_385 : i32 to index
        %get3A_396 = arith.constant 32 : index
        %get3A_397 = tpu.vector_load %arg12[%get3A_395, %get3A_396] {strides = array<i32>} : memref<100x128xf32, #tpu.memory_space<vmem>>, vector<16xf32>,
        %mul3A_398 = arith.mulf %get3A_397, %get3A_121 : vector<16xf32>
        %add3A_399 = arith.addf %add3A_394, %mul3A_398 : vector<16xf32>
        %get3A_400 = arith.index_cast %add3A_385 : i32 to index
        %get3A_401 = arith.constant 48 : index
        %get3A_402 = tpu.vector_load %arg12[%get3A_400, %get3A_401] {strides = array<i32>} : memref<100x128xf32, #tpu.memory_space<vmem>>, vector<16xf32>,
        %mul3A_403 = arith.mulf %get3A_402, %get3A_125 : vector<16xf32>
        %add3A_404 = arith.addf %add3A_399, %mul3A_403 : vector<16xf32>
        %get3A_405 = arith.index_cast %add3A_385 : i32 to index
        %get3A_406 = arith.constant 64 : index
        %get3A_407 = tpu.vector_load %arg12[%get3A_405, %get3A_406] {strides = array<i32>} : memref<100x128xf32, #tpu.memory_space<vmem>>, vector<16xf32>,
        %mul3A_408 = arith.mulf %get3A_407, %get3A_129 : vector<16xf32>
        %add3A_409 = arith.addf %add3A_404, %mul3A_408 : vector<16xf32>
        %get3A_410 = arith.index_cast %add3A_385 : i32 to index
        %get3A_411 = arith.constant 80 : index
        %get3A_412 = tpu.vector_load %arg12[%get3A_410, %get3A_411] {strides = array<i32>} : memref<100x128xf32, #tpu.memory_space<vmem>>, vector<16xf32>,
        %mul3A_413 = arith.mulf %get3A_412, %get3A_133 : vector<16xf32>
        %add3A_414 = arith.addf %add3A_409, %mul3A_413 : vector<16xf32>
        %get3A_415 = arith.index_cast %add3A_385 : i32 to index
        %get3A_416 = arith.constant 96 : index
        %get3A_417 = tpu.vector_load %arg12[%get3A_415, %get3A_416] {strides = array<i32>} : memref<100x128xf32, #tpu.memory_space<vmem>>, vector<16xf32>,
        %mul3A_418 = arith.mulf %get3A_417, %get3A_137 : vector<16xf32>
        %add3A_419 = arith.addf %add3A_414, %mul3A_418 : vector<16xf32>
        %get3A_420 = arith.index_cast %add3A_385 : i32 to index
        %get3A_421 = arith.constant 112 : index
        %get3A_422 = tpu.vector_load %arg12[%get3A_420, %get3A_421] {strides = array<i32>} : memref<100x128xf32, #tpu.memory_space<vmem>>, vector<16xf32>,
        %mul3A_423 = arith.mulf %get3A_422, %get3A_141 : vector<16xf32>
        %add3A_424 = arith.addf %add3A_419, %mul3A_423 : vector<16xf32>
        %mul3A_425 = arith.constant 16 : i32
        %mul3A_426 = arith.muli %add3A_385, %mul3A_425 : i32
        %add3A_427 = vector.broadcast %mul3A_426 : i32 to vector<16xi32>
        %add3A_428 = arith.addi %add3A_427, %iota3A : vector<16xi32>
        tpu.vector_store_idx %arg18[%add3A_428], %add3A_424 : memref<1792xf32, #tpu.memory_space<vmem>>[vector<16xi32>], vector<16xf32>,
      }
      %scan3A_146 = arith.constant 100 : i32
      %scan3A_147 = arith.constant 0 : i32
      %scan3A_148 = arith.constant 7 : i32
      %scan3A_149 = arith.addi %scan3A_147, %scan3A_148 : i32
      %scan3A_150 = arith.constant 1 : i32
      scf.for %scan3A_381 = %scan3A_147 to %scan3A_149 step %scan3A_150  : i32 {
        %mul3A_382 = arith.constant 1 : i32
        %mul3A_383 = arith.muli %scan3A_381, %mul3A_382 : i32
        %add3A_384 = arith.constant 0 : i32
        %add3A_385 = arith.addi %add3A_384, %mul3A_383 : i32
        %mul3A_386 = arith.constant 16 : i32
        %mul3A_387 = arith.muli %add3A_385, %mul3A_386 : i32
        %add3A_388 = vector.broadcast %mul3A_387 : i32 to vector<16xi32>
        %add3A_389 = arith.addi %add3A_388, %iota3A : vector<16xi32>
        %mul3A_390 = arith.constant 16 : i32
        %mul3A_391 = vector.broadcast %mul3A_390 : i32 to vector<16xi32>
        %mul3A_392 = arith.muli %add3A_389, %mul3A_391 : vector<16xi32>
        %gather3A_393 = tpu.vector_load_idx %arg18[%mul3A_392] : memref<1792xf32, #tpu.memory_space<vmem>>[vector<16xi32>], vector<16xf32>,
        %add3A_394 = arith.constant 1 : i32
        %add3A_395 = vector.broadcast %add3A_394 : i32 to vector<16xi32>
        %add3A_396 = arith.addi %mul3A_392, %add3A_395 : vector<16xi32>
        %gather3A_397 = tpu.vector_load_idx %arg18[%add3A_396] : memref<1792xf32, #tpu.memory_space<vmem>>[vector<16xi32>], vector<16xf32>,
        %add3A_398 = arith.addf %gather3A_393, %gather3A_397 : vector<16xf32>
        %add3A_399 = arith.constant 2 : i32
        %add3A_400 = vector.broadcast %add3A_399 : i32 to vector<16xi32>
        %add3A_401 = arith.addi %mul3A_392, %add3A_400 : vector<16xi32>
        %gather3A_402 = tpu.vector_load_idx %arg18[%add3A_401] : memref<1792xf32, #tpu.memory_space<vmem>>[vector<16xi32>], vector<16xf32>,
        %add3A_403 = arith.addf %add3A_398, %gather3A_402 : vector<16xf32>
        %add3A_404 = arith.constant 3 : i32
        %add3A_405 = vector.broadcast %add3A_404 : i32 to vector<16xi32>
        %add3A_406 = arith.addi %mul3A_392, %add3A_405 : vector<16xi32>
        %gather3A_407 = tpu.vector_load_idx %arg18[%add3A_406] : memref<1792xf32, #tpu.memory_space<vmem>>[vector<16xi32>], vector<16xf32>,
        %add3A_408 = arith.addf %add3A_403, %gather3A_407 : vector<16xf32>
        %add3A_409 = arith.constant 4 : i32
        %add3A_410 = vector.broadcast %add3A_409 : i32 to vector<16xi32>
        %add3A_411 = arith.addi %mul3A_392, %add3A_410 : vector<16xi32>
        %gather3A_412 = tpu.vector_load_idx %arg18[%add3A_411] : memref<1792xf32, #tpu.memory_space<vmem>>[vector<16xi32>], vector<16xf32>,
        %add3A_413 = arith.addf %add3A_408, %gather3A_412 : vector<16xf32>
        %add3A_414 = arith.constant 5 : i32
        %add3A_415 = vector.broadcast %add3A_414 : i32 to vector<16xi32>
        %add3A_416 = arith.addi %mul3A_392, %add3A_415 : vector<16xi32>
        %gather3A_417 = tpu.vector_load_idx %arg18[%add3A_416] : memref<1792xf32, #tpu.memory_space<vmem>>[vector<16xi32>], vector<16xf32>,
        %add3A_418 = arith.addf %add3A_413, %gather3A_417 : vector<16xf32>
        %add3A_419 = arith.constant 6 : i32
        %add3A_420 = vector.broadcast %add3A_419 : i32 to vector<16xi32>
        %add3A_421 = arith.addi %mul3A_392, %add3A_420 : vector<16xi32>
        %gather3A_422 = tpu.vector_load_idx %arg18[%add3A_421] : memref<1792xf32, #tpu.memory_space<vmem>>[vector<16xi32>], vector<16xf32>,
        %add3A_423 = arith.addf %add3A_418, %gather3A_422 : vector<16xf32>
        %add3A_424 = arith.constant 7 : i32
        %add3A_425 = vector.broadcast %add3A_424 : i32 to vector<16xi32>
        %add3A_426 = arith.addi %mul3A_392, %add3A_425 : vector<16xi32>
        %gather3A_427 = tpu.vector_load_idx %arg18[%add3A_426] : memref<1792xf32, #tpu.memory_space<vmem>>[vector<16xi32>], vector<16xf32>,
        %add3A_428 = arith.addf %add3A_423, %gather3A_427 : vector<16xf32>
        %add3A_429 = arith.constant 8 : i32
        %add3A_430 = vector.broadcast %add3A_429 : i32 to vector<16xi32>
        %add3A_431 = arith.addi %mul3A_392, %add3A_430 : vector<16xi32>
        %gather3A_432 = tpu.vector_load_idx %arg18[%add3A_431] : memref<1792xf32, #tpu.memory_space<vmem>>[vector<16xi32>], vector<16xf32>,
        %add3A_433 = arith.addf %add3A_428, %gather3A_432 : vector<16xf32>
        %add3A_434 = arith.constant 9 : i32
        %add3A_435 = vector.broadcast %add3A_434 : i32 to vector<16xi32>
        %add3A_436 = arith.addi %mul3A_392, %add3A_435 : vector<16xi32>
        %gather3A_437 = tpu.vector_load_idx %arg18[%add3A_436] : memref<1792xf32, #tpu.memory_space<vmem>>[vector<16xi32>], vector<16xf32>,
        %add3A_438 = arith.addf %add3A_433, %gather3A_437 : vector<16xf32>
        %add3A_439 = arith.constant 10 : i32
        %add3A_440 = vector.broadcast %add3A_439 : i32 to vector<16xi32>
        %add3A_441 = arith.addi %mul3A_392, %add3A_440 : vector<16xi32>
        %gather3A_442 = tpu.vector_load_idx %arg18[%add3A_441] : memref<1792xf32, #tpu.memory_space<vmem>>[vector<16xi32>], vector<16xf32>,
        %add3A_443 = arith.addf %add3A_438, %gather3A_442 : vector<16xf32>
        %add3A_444 = arith.constant 11 : i32
        %add3A_445 = vector.broadcast %add3A_444 : i32 to vector<16xi32>
        %add3A_446 = arith.addi %mul3A_392, %add3A_445 : vector<16xi32>
        %gather3A_447 = tpu.vector_load_idx %arg18[%add3A_446] : memref<1792xf32, #tpu.memory_space<vmem>>[vector<16xi32>], vector<16xf32>,
        %add3A_448 = arith.addf %add3A_443, %gather3A_447 : vector<16xf32>
        %add3A_449 = arith.constant 12 : i32
        %add3A_450 = vector.broadcast %add3A_449 : i32 to vector<16xi32>
        %add3A_451 = arith.addi %mul3A_392, %add3A_450 : vector<16xi32>
        %gather3A_452 = tpu.vector_load_idx %arg18[%add3A_451] : memref<1792xf32, #tpu.memory_space<vmem>>[vector<16xi32>], vector<16xf32>,
        %add3A_453 = arith.addf %add3A_448, %gather3A_452 : vector<16xf32>
        %add3A_454 = arith.constant 13 : i32
        %add3A_455 = vector.broadcast %add3A_454 : i32 to vector<16xi32>
        %add3A_456 = arith.addi %mul3A_392, %add3A_455 : vector<16xi32>
        %gather3A_457 = tpu.vector_load_idx %arg18[%add3A_456] : memref<1792xf32, #tpu.memory_space<vmem>>[vector<16xi32>], vector<16xf32>,
        %add3A_458 = arith.addf %add3A_453, %gather3A_457 : vector<16xf32>
        %add3A_459 = arith.constant 14 : i32
        %add3A_460 = vector.broadcast %add3A_459 : i32 to vector<16xi32>
        %add3A_461 = arith.addi %mul3A_392, %add3A_460 : vector<16xi32>
        %gather3A_462 = tpu.vector_load_idx %arg18[%add3A_461] : memref<1792xf32, #tpu.memory_space<vmem>>[vector<16xi32>], vector<16xf32>,
        %add3A_463 = arith.addf %add3A_458, %gather3A_462 : vector<16xf32>
        %add3A_464 = arith.constant 15 : i32
        %add3A_465 = vector.broadcast %add3A_464 : i32 to vector<16xi32>
        %add3A_466 = arith.addi %mul3A_392, %add3A_465 : vector<16xi32>
        %gather3A_467 = tpu.vector_load_idx %arg18[%add3A_466] : memref<1792xf32, #tpu.memory_space<vmem>>[vector<16xi32>], vector<16xf32>,
        %add3A_468 = arith.addf %add3A_463, %gather3A_467 : vector<16xf32>
        %mul3A_469 = arith.constant 16 : i32
        %mul3A_470 = arith.muli %add3A_385, %mul3A_469 : i32
        %add3A_471 = vector.broadcast %mul3A_470 : i32 to vector<16xi32>
        %add3A_472 = arith.addi %add3A_471, %iota3A : vector<16xi32>
        tpu.vector_store_idx %arg19[%add3A_472], %add3A_468 : memref<112xf32, #tpu.memory_space<vmem>>[vector<16xi32>], vector<16xf32>,
      }
      %scan3A_151 = arith.constant 7 : i32
      %broadcast_in_dim3A = arith.constant 0 : i32
      %broadcast_in_dim3A_152 = vector.broadcast %broadcast_in_dim3A : i32 to vector<16xi32>
      %add3A_153 = vector.broadcast %mul3A_110 : i32 to vector<16xi32>
      %add3A_154 = arith.addi %add3A_153, %iota3A : vector<16xi32>
      %gather3A_155 = tpu.vector_load_idx %arg9[%add3A_154] : memref<640xi32, #tpu.memory_space<vmem>>[vector<16xi32>], vector<16xi32>,
      %add3A_156 = arith.constant 16 : i32
      %add3A_157 = arith.addi %mul3A_110, %add3A_156 : i32
      %min3A_158 = arith.constant 3 : i32
      %min3A_159 = vector.broadcast %min3A_158 : i32 to vector<16xi32>
      %min3A_160 = arith.minsi %iota3A, %min3A_159 : vector<16xi32>
      %add3A_161 = vector.broadcast %add3A_157 : i32 to vector<16xi32>
      %add3A_162 = arith.addi %add3A_161, %min3A_160 : vector<16xi32>
      %gather3A_163 = tpu.vector_load_idx %arg9[%add3A_162] : memref<640xi32, #tpu.memory_space<vmem>>[vector<16xi32>], vector<16xi32>,
      %gather3A_164 = tpu.vector_load_idx %arg14[%broadcast_in_dim3A_152, %gather3A_155] : memref<1x2048xf32, #tpu.memory_space<vmem>>[vector<16xi32>, vector<16xi32>], vector<16xf32>,
      %gather3A_165 = tpu.vector_load_idx %arg14[%broadcast_in_dim3A_152, %gather3A_163] : memref<1x2048xf32, #tpu.memory_space<vmem>>[vector<16xi32>, vector<16xi32>], vector<16xf32>,
      %scan3A_166 = arith.constant 0 : i32
      %scan3A_167 = arith.constant 4 : i32
      %scan3A_168 = arith.addi %scan3A_166, %scan3A_167 : i32
      %scan3A_169 = arith.constant 1 : i32
      %scan3A_170:2 = scf.for %scan3A_381 = %scan3A_166 to %scan3A_168 step %scan3A_169 iter_args(%scan3A_382 = %gather3A_164, %scan3A_383 = %gather3A_165) -> (vector<16xf32>, vector<16xf32>)  : i32 {
        %mul3A_384 = arith.constant 1 : i32
        %mul3A_385 = arith.muli %scan3A_381, %mul3A_384 : i32
        %add3A_386 = arith.constant 0 : i32
        %add3A_387 = arith.addi %add3A_386, %mul3A_385 : i32
        %mul3A_388 = arith.constant 20 : i32
        %mul3A_389 = arith.muli %add3A_387, %mul3A_388 : i32
        %add3A_390 = vector.broadcast %mul3A_389 : i32 to vector<16xi32>
        %add3A_391 = arith.addi %add3A_390, %iota3A : vector<16xi32>
        %gather3A_392 = tpu.vector_load_idx %arg19[%add3A_391] : memref<112xf32, #tpu.memory_space<vmem>>[vector<16xi32>], vector<16xf32>,
        %mul3A_393 = arith.constant 20 : i32
        %mul3A_394 = arith.muli %add3A_387, %mul3A_393 : i32
        %add3A_395 = arith.constant 16 : i32
        %add3A_396 = arith.addi %mul3A_394, %add3A_395 : i32
        %add3A_397 = vector.broadcast %add3A_396 : i32 to vector<16xi32>
        %add3A_398 = arith.addi %add3A_397, %iota3A : vector<16xi32>
        %gather3A_399 = tpu.vector_load_idx %arg19[%add3A_398] : memref<112xf32, #tpu.memory_space<vmem>>[vector<16xi32>], vector<16xf32>,
        %neg3A_400 = arith.constant 0.000000e+00 : f32
        %neg3A_401 = vector.broadcast %neg3A_400 : f32 to vector<16xf32>
        %neg3A_402 = arith.subf %neg3A_401, %gather3A_392 : vector<16xf32>
        %exp3A_403 = math.exp %neg3A_402 : vector<16xf32>
        %add3A_404 = arith.constant 1.000000e+00 : f32
        %add3A_405 = vector.broadcast %add3A_404 : f32 to vector<16xf32>
        %add3A_406 = arith.addf %add3A_405, %exp3A_403 : vector<16xf32>
        %div3A_407 = arith.constant 1.000000e+00 : f32
        %div3A_408 = vector.broadcast %div3A_407 : f32 to vector<16xf32>
        %div3A_409 = arith.divf %div3A_408, %add3A_406 : vector<16xf32>
        %mul3A_410 = arith.mulf %scan3A_382, %div3A_409 : vector<16xf32>
        %neg3A_411 = arith.constant 0.000000e+00 : f32
        %neg3A_412 = vector.broadcast %neg3A_411 : f32 to vector<16xf32>
        %neg3A_413 = arith.subf %neg3A_412, %gather3A_399 : vector<16xf32>
        %exp3A_414 = math.exp %neg3A_413 : vector<16xf32>
        %add3A_415 = arith.constant 1.000000e+00 : f32
        %add3A_416 = vector.broadcast %add3A_415 : f32 to vector<16xf32>
        %add3A_417 = arith.addf %add3A_416, %exp3A_414 : vector<16xf32>
        %div3A_418 = arith.constant 1.000000e+00 : f32
        %div3A_419 = vector.broadcast %div3A_418 : f32 to vector<16xf32>
        %div3A_420 = arith.divf %div3A_419, %add3A_417 : vector<16xf32>
        %mul3A_421 = arith.mulf %scan3A_383, %div3A_420 : vector<16xf32>
        scf.yield %mul3A_410, %mul3A_421 : vector<16xf32>, vector<16xf32>
      }
      %scan3A_171 = arith.constant 4 : i32
      %add3A_172 = vector.broadcast %mul3A_110 : i32 to vector<16xi32>
      %add3A_173 = arith.addi %add3A_172, %iota3A : vector<16xi32>
      %gather3A_174 = tpu.vector_load_idx %arg8[%add3A_173] : memref<640xi32, #tpu.memory_space<vmem>>[vector<16xi32>], vector<16xi32>,
      %add3A_175 = arith.constant 16 : i32
      %add3A_176 = arith.addi %mul3A_110, %add3A_175 : i32
      %min3A_177 = arith.constant 3 : i32
      %min3A_178 = vector.broadcast %min3A_177 : i32 to vector<16xi32>
      %min3A_179 = arith.minsi %iota3A, %min3A_178 : vector<16xi32>
      %add3A_180 = vector.broadcast %add3A_176 : i32 to vector<16xi32>
      %add3A_181 = arith.addi %add3A_180, %min3A_179 : vector<16xi32>
      %gather3A_182 = tpu.vector_load_idx %arg8[%add3A_181] : memref<640xi32, #tpu.memory_space<vmem>>[vector<16xi32>], vector<16xi32>,
      %add3A_183 = arith.constant 80 : i32
      %add3A_184 = vector.broadcast %add3A_183 : i32 to vector<16xi32>
      %add3A_185 = arith.addi %add3A_184, %iota3A : vector<16xi32>
      %gather3A_186 = tpu.vector_load_idx %arg19[%add3A_185] : memref<112xf32, #tpu.memory_space<vmem>>[vector<16xi32>], vector<16xf32>,
      %add3A_187 = arith.constant 96 : i32
      %add3A_188 = vector.broadcast %add3A_187 : i32 to vector<16xi32>
      %add3A_189 = arith.addi %add3A_188, %iota3A : vector<16xi32>
      %gather3A_190 = tpu.vector_load_idx %arg19[%add3A_189] : memref<112xf32, #tpu.memory_space<vmem>>[vector<16xi32>], vector<16xf32>,
      %add3A_191 = arith.constant 100000 : i32
      %add3A_192 = vector.broadcast %add3A_191 : i32 to vector<16xi32>
      %add3A_193 = arith.addi %gather3A_174, %add3A_192 : vector<16xi32>
      %ge3A = arith.constant 131072 : i32
      %ge3A_194 = vector.broadcast %ge3A : i32 to vector<16xi32>
      %ge3A_195 = arith.cmpi sge, %add3A_193, %ge3A_194 : vector<16xi32>
      %neg3A = arith.constant 0.000000e+00 : f32
      %neg3A_196 = vector.broadcast %neg3A : f32 to vector<16xf32>
      %neg3A_197 = arith.subf %neg3A_196, %gather3A_186 : vector<16xf32>
      %exp3A = math.exp %neg3A_197 : vector<16xf32>
      %add3A_198 = arith.constant 1.000000e+00 : f32
      %add3A_199 = vector.broadcast %add3A_198 : f32 to vector<16xf32>
      %add3A_200 = arith.addf %add3A_199, %exp3A : vector<16xf32>
      %div3A = arith.constant 1.000000e+00 : f32
      %div3A_201 = vector.broadcast %div3A : f32 to vector<16xf32>
      %div3A_202 = arith.divf %div3A_201, %add3A_200 : vector<16xf32>
      %jit3A = arith.constant 1.000000e+00 : f32
      %broadcast_in_dim3A_203 = vector.broadcast %jit3A : f32 to vector<16xf32>
      %select_n3A = arith.select %ge3A_195, %div3A_202, %broadcast_in_dim3A_203 : vector<16xi1>, vector<16xf32>
      %mul3A_204 = arith.mulf %scan3A_170#0, %select_n3A : vector<16xf32>
      %add3A_205 = arith.constant 100000 : i32
      %add3A_206 = vector.broadcast %add3A_205 : i32 to vector<16xi32>
      %add3A_207 = arith.addi %gather3A_182, %add3A_206 : vector<16xi32>
      %ge3A_208 = arith.constant 131072 : i32
      %ge3A_209 = vector.broadcast %ge3A_208 : i32 to vector<16xi32>
      %ge3A_210 = arith.cmpi sge, %add3A_207, %ge3A_209 : vector<16xi32>
      %neg3A_211 = arith.constant 0.000000e+00 : f32
      %neg3A_212 = vector.broadcast %neg3A_211 : f32 to vector<16xf32>
      %neg3A_213 = arith.subf %neg3A_212, %gather3A_190 : vector<16xf32>
      %exp3A_214 = math.exp %neg3A_213 : vector<16xf32>
      %add3A_215 = arith.constant 1.000000e+00 : f32
      %add3A_216 = vector.broadcast %add3A_215 : f32 to vector<16xf32>
      %add3A_217 = arith.addf %add3A_216, %exp3A_214 : vector<16xf32>
      %div3A_218 = arith.constant 1.000000e+00 : f32
      %div3A_219 = vector.broadcast %div3A_218 : f32 to vector<16xf32>
      %div3A_220 = arith.divf %div3A_219, %add3A_217 : vector<16xf32>
      %jit3A_221 = arith.constant 1.000000e+00 : f32
      %broadcast_in_dim3A_222 = vector.broadcast %jit3A_221 : f32 to vector<16xf32>
      %select_n3A_223 = arith.select %ge3A_210, %div3A_220, %broadcast_in_dim3A_222 : vector<16xi1>, vector<16xf32>
      %mul3A_224 = arith.mulf %scan3A_170#1, %select_n3A_223 : vector<16xf32>
      %swap3A = arith.index_cast %add3A_53 : i32 to index
      %swap3A_225 = arith.constant 0 : index
      %swap3A_226 = tpu.vector_load %arg20[%swap3A, %swap3A_225] {strides = array<i32>} : memref<32x32xf32, #tpu.memory_space<vmem>>, vector<16xf32>,
      tpu.vector_store %arg20[%swap3A, %swap3A_225], %mul3A_204 {strides = array<i32>} : memref<32x32xf32, #tpu.memory_space<vmem>>, vector<16xf32>,
      %swap3A_227 = arith.index_cast %add3A_53 : i32 to index
      %swap3A_228 = arith.constant 16 : index
      %swap3A_229 = tpu.vector_load %arg20[%swap3A_227, %swap3A_228] {strides = array<i32>} : memref<32x32xf32, #tpu.memory_space<vmem>>, vector<16xf32>,
      tpu.vector_store %arg20[%swap3A_227, %swap3A_228], %mul3A_224 {strides = array<i32>} : memref<32x32xf32, #tpu.memory_space<vmem>>, vector<16xf32>,
      %add3A_230 = arith.constant 2 : i32
      %add3A_231 = arith.addi %add3A_53, %add3A_230 : i32
      %lt3A = arith.constant 32 : i32
      %lt3A_232 = arith.cmpi slt, %add3A_231, %lt3A : i32
      %convert_element_type3A = arith.extui %lt3A_232 : i1 to i32
      %cond3A = arith.constant 0 : i32
      %cond3A_233 = arith.cmpi ne, %convert_element_type3A, %cond3A : i32
      scf.if %cond3A_233 {
        %add3A_381 = arith.constant 2 : i32
        %add3A_382 = arith.addi %add3A_53, %add3A_381 : i32
        %mul3A_383 = arith.constant 20 : i32
        %mul3A_384 = arith.muli %add3A_382, %mul3A_383 : i32
        %add3A_385 = vector.broadcast %mul3A_384 : i32 to vector<16xi32>
        %add3A_386 = arith.addi %add3A_385, %iota3A : vector<16xi32>
        %gather3A_387 = tpu.vector_load_idx %arg8[%add3A_386] : memref<640xi32, #tpu.memory_space<vmem>>[vector<16xi32>], vector<16xi32>,
        %add3A_388 = arith.constant 16 : i32
        %add3A_389 = arith.addi %mul3A_384, %add3A_388 : i32
        %min3A_390 = arith.constant 3 : i32
        %min3A_391 = vector.broadcast %min3A_390 : i32 to vector<16xi32>
        %min3A_392 = arith.minsi %iota3A, %min3A_391 : vector<16xi32>
        %add3A_393 = vector.broadcast %add3A_389 : i32 to vector<16xi32>
        %add3A_394 = arith.addi %add3A_393, %min3A_392 : vector<16xi32>
        %gather3A_395 = tpu.vector_load_idx %arg8[%add3A_394] : memref<640xi32, #tpu.memory_space<vmem>>[vector<16xi32>], vector<16xi32>,
        %add3A_396 = arith.constant 100000 : i32
        %add3A_397 = vector.broadcast %add3A_396 : i32 to vector<16xi32>
        %add3A_398 = arith.addi %gather3A_387, %add3A_397 : vector<16xi32>
        %add3A_399 = arith.constant 100000 : i32
        %add3A_400 = vector.broadcast %add3A_399 : i32 to vector<16xi32>
        %add3A_401 = arith.addi %gather3A_395, %add3A_400 : vector<16xi32>
        %scan3A_402 = arith.constant 0 : i32
        %scan3A_403 = arith.constant 5 : i32
        %scan3A_404 = arith.addi %scan3A_402, %scan3A_403 : i32
        %scan3A_405 = arith.constant 1 : i32
        %scan3A_406:2 = scf.for %scan3A_422 = %scan3A_402 to %scan3A_404 step %scan3A_405 iter_args(%scan3A_423 = %add3A_398, %scan3A_424 = %add3A_401) -> (vector<16xi32>, vector<16xi32>)  : i32 {
          %mul3A_425 = arith.constant 1 : i32
          %mul3A_426 = arith.muli %scan3A_422, %mul3A_425 : i32
          %add3A_427 = arith.constant 0 : i32
          %add3A_428 = arith.addi %add3A_427, %mul3A_426 : i32
          %shift_right_logical3A = arith.constant 1 : i32
          %shift_right_logical3A_429 = vector.broadcast %shift_right_logical3A : i32 to vector<16xi32>
          %shift_right_logical3A_430 = arith.shrui %scan3A_423, %shift_right_logical3A_429 : vector<16xi32>
          %shift_right_logical3A_431 = arith.constant 1 : i32
          %shift_right_logical3A_432 = vector.broadcast %shift_right_logical3A_431 : i32 to vector<16xi32>
          %shift_right_logical3A_433 = arith.shrui %scan3A_424, %shift_right_logical3A_432 : vector<16xi32>
          %mul3A_434 = arith.constant 20 : i32
          %mul3A_435 = arith.muli %add3A_428, %mul3A_434 : i32
          %add3A_436 = vector.broadcast %mul3A_435 : i32 to vector<16xi32>
          %add3A_437 = arith.addi %add3A_436, %iota3A : vector<16xi32>
          %sub3A = arith.constant 1 : i32
          %sub3A_438 = vector.broadcast %sub3A : i32 to vector<16xi32>
          %sub3A_439 = arith.subi %shift_right_logical3A_430, %sub3A_438 : vector<16xi32>
          tpu.vector_store_idx %arg10[%add3A_437], %sub3A_439 : memref<100xi32, #tpu.memory_space<vmem>>[vector<16xi32>], vector<16xi32>,
          %mul3A_440 = arith.constant 20 : i32
          %mul3A_441 = arith.muli %add3A_428, %mul3A_440 : i32
          %add3A_442 = arith.constant 16 : i32
          %add3A_443 = arith.addi %mul3A_441, %add3A_442 : i32
          %add3A_444 = vector.broadcast %add3A_443 : i32 to vector<16xi32>
          %add3A_445 = arith.addi %add3A_444, %iota3A : vector<16xi32>
          %sub3A_446 = arith.constant 1 : i32
          %sub3A_447 = vector.broadcast %sub3A_446 : i32 to vector<16xi32>
          %sub3A_448 = arith.subi %shift_right_logical3A_433, %sub3A_447 : vector<16xi32>
          %lt3A_449 = arith.constant 4 : i32
          %lt3A_450 = vector.broadcast %lt3A_449 : i32 to vector<16xi32>
          %lt3A_451 = arith.cmpi slt, %iota3A, %lt3A_450 : vector<16xi32>
          tpu.vector_store_idx %arg10[%add3A_445], %sub3A_448 masked %lt3A_451 : memref<100xi32, #tpu.memory_space<vmem>>[vector<16xi32>], vector<16xi32>, vector<16xi1>
          scf.yield %shift_right_logical3A_430, %shift_right_logical3A_433 : vector<16xi32>, vector<16xi32>
        }
        %scan3A_407 = arith.constant 5 : i32
        %mul3A_408 = arith.constant 32 : i32
        %mul3A_409 = arith.muli %add3A, %mul3A_408 : i32
        %add3A_410 = arith.addi %mul3A_409, %add3A_382 : i32
        %dma_start3A_411 = arith.constant 0 : i32
        %dma_start3A_412 = arith.constant 0 : i32
        %dma_start3A_413 = tpu.memref_slice %arg5[%dma_start3A_411, %dma_start3A_412] : memref<99999x128xf32, #tpu.memory_space<hbm>> -> memref<99999x128xf32, #tpu.memory_space<hbm>>
        tpu.enqueue_indirect_dma source(%dma_start3A_413 : memref<99999x128xf32, #tpu.memory_space<hbm>>) target(%arg12 : memref<100x128xf32, #tpu.memory_space<vmem>>) offsets(%arg10 : memref<100xi32, #tpu.memory_space<vmem>>) semaphore(%arg21 : memref<!tpu.dma_semaphore, #tpu.memory_space<semaphore_mem>>)
        %dma_start3A_414 = arith.constant 0 : i32
        %dma_start3A_415 = tpu.memref_slice %arg6[%add3A_410, %dma_start3A_414] : memref<1024x2048xf32, #tpu.memory_space<hbm>> -> memref<1x2048xf32, #tpu.memory_space<hbm>>
        %dma_start3A_416 = arith.constant 0 : i32
        %dma_start3A_417 = tpu.memref_slice %arg6[%add3A_410, %dma_start3A_416] : memref<1024x2048xf32, #tpu.memory_space<hbm>> -> memref<1x2048xf32, #tpu.memory_space<hbm>>
        tpu.enqueue_dma source(%dma_start3A_417 : memref<1x2048xf32, #tpu.memory_space<hbm>>) target(%arg14 : memref<1x2048xf32, #tpu.memory_space<vmem>>) target_semaphore(%arg21 : memref<!tpu.dma_semaphore, #tpu.memory_space<semaphore_mem>>)
        %dma_start3A_418 = arith.constant 0 : i32
        %dma_start3A_419 = tpu.memref_slice %arg2[%add3A_410, %dma_start3A_418] : memref<1024x128xf32, #tpu.memory_space<hbm>> -> memref<1x128xf32, #tpu.memory_space<hbm>>
        %dma_start3A_420 = arith.constant 0 : i32
        %dma_start3A_421 = tpu.memref_slice %arg2[%add3A_410, %dma_start3A_420] : memref<1024x128xf32, #tpu.memory_space<hbm>> -> memref<1x128xf32, #tpu.memory_space<hbm>>
        tpu.enqueue_dma source(%dma_start3A_421 : memref<1x128xf32, #tpu.memory_space<hbm>>) target(%arg16 : memref<1x128xf32, #tpu.memory_space<vmem>>) target_semaphore(%arg21 : memref<!tpu.dma_semaphore, #tpu.memory_space<semaphore_mem>>)
      } else {
      }
      %dma_wait3A_234 = arith.constant 0 : i32
      %dma_wait3A_235 = arith.constant 0 : i32
      %dma_wait3A_236 = tpu.memref_slice %arg5[%dma_wait3A_234, %dma_wait3A_235] : memref<99999x128xf32, #tpu.memory_space<hbm>> -> memref<99999x128xf32, #tpu.memory_space<hbm>>
      tpu.wait_indirect_dma semaphore(%arg22 : memref<!tpu.dma_semaphore, #tpu.memory_space<semaphore_mem>>) src(%dma_wait3A_236 : memref<99999x128xf32, #tpu.memory_space<hbm>>) dst(%arg13 : memref<100x128xf32, #tpu.memory_space<vmem>>)
      %dma_wait3A_237 = arith.constant 0 : i32
      %dma_wait3A_238 = arith.constant 0 : i32
      %dma_wait3A_239 = tpu.memref_slice %arg6[%dma_wait3A_237, %dma_wait3A_238] : memref<1024x2048xf32, #tpu.memory_space<hbm>> -> memref<1x2048xf32, #tpu.memory_space<hbm>>
      %dma_wait3A_240 = arith.constant 0 : i32
      %dma_wait3A_241 = arith.constant 0 : i32
      %dma_wait3A_242 = tpu.memref_slice %arg6[%dma_wait3A_240, %dma_wait3A_241] : memref<1024x2048xf32, #tpu.memory_space<hbm>> -> memref<1x2048xf32, #tpu.memory_space<hbm>>
      tpu.wait_dma2 semaphore(%arg22 : memref<!tpu.dma_semaphore, #tpu.memory_space<semaphore_mem>>) src(%dma_wait3A_242 : memref<1x2048xf32, #tpu.memory_space<hbm>>) dst(%arg15 : memref<1x2048xf32, #tpu.memory_space<vmem>>)
      %dma_wait3A_243 = arith.constant 0 : i32
      %dma_wait3A_244 = arith.constant 0 : i32
      %dma_wait3A_245 = tpu.memref_slice %arg2[%dma_wait3A_243, %dma_wait3A_244] : memref<1024x128xf32, #tpu.memory_space<hbm>> -> memref<1x128xf32, #tpu.memory_space<hbm>>
      %dma_wait3A_246 = arith.constant 0 : i32
      %dma_wait3A_247 = arith.constant 0 : i32
      %dma_wait3A_248 = tpu.memref_slice %arg2[%dma_wait3A_246, %dma_wait3A_247] : memref<1024x128xf32, #tpu.memory_space<hbm>> -> memref<1x128xf32, #tpu.memory_space<hbm>>
      tpu.wait_dma2 semaphore(%arg22 : memref<!tpu.dma_semaphore, #tpu.memory_space<semaphore_mem>>) src(%dma_wait3A_248 : memref<1x128xf32, #tpu.memory_space<hbm>>) dst(%arg17 : memref<1x128xf32, #tpu.memory_space<vmem>>)
      %add3A_249 = arith.constant 1 : i32
      %add3A_250 = arith.addi %add3A_53, %add3A_249 : i32
      %mul3A_251 = arith.constant 20 : i32
      %mul3A_252 = arith.muli %add3A_250, %mul3A_251 : i32
      %get3A_253 = arith.constant 0 : i32
      %get3A_254 = arith.index_cast %get3A_253 : i32 to index
      %get3A_255 = arith.constant 0 : index
      %get3A_256 = tpu.vector_load %arg17[%get3A_254, %get3A_255] {strides = array<i32>} : memref<1x128xf32, #tpu.memory_space<vmem>>, vector<16xf32>,
      %get3A_257 = arith.constant 0 : i32
      %get3A_258 = arith.index_cast %get3A_257 : i32 to index
      %get3A_259 = arith.constant 16 : index
      %get3A_260 = tpu.vector_load %arg17[%get3A_258, %get3A_259] {strides = array<i32>} : memref<1x128xf32, #tpu.memory_space<vmem>>, vector<16xf32>,
      %get3A_261 = arith.constant 0 : i32
      %get3A_262 = arith.index_cast %get3A_261 : i32 to index
      %get3A_263 = arith.constant 32 : index
      %get3A_264 = tpu.vector_load %arg17[%get3A_262, %get3A_263] {strides = array<i32>} : memref<1x128xf32, #tpu.memory_space<vmem>>, vector<16xf32>,
      %get3A_265 = arith.constant 0 : i32
      %get3A_266 = arith.index_cast %get3A_265 : i32 to index
      %get3A_267 = arith.constant 48 : index
      %get3A_268 = tpu.vector_load %arg17[%get3A_266, %get3A_267] {strides = array<i32>} : memref<1x128xf32, #tpu.memory_space<vmem>>, vector<16xf32>,
      %get3A_269 = arith.constant 0 : i32
      %get3A_270 = arith.index_cast %get3A_269 : i32 to index
      %get3A_271 = arith.constant 64 : index
      %get3A_272 = tpu.vector_load %arg17[%get3A_270, %get3A_271] {strides = array<i32>} : memref<1x128xf32, #tpu.memory_space<vmem>>, vector<16xf32>,
      %get3A_273 = arith.constant 0 : i32
      %get3A_274 = arith.index_cast %get3A_273 : i32 to index
      %get3A_275 = arith.constant 80 : index
      %get3A_276 = tpu.vector_load %arg17[%get3A_274, %get3A_275] {strides = array<i32>} : memref<1x128xf32, #tpu.memory_space<vmem>>, vector<16xf32>,
      %get3A_277 = arith.constant 0 : i32
      %get3A_278 = arith.index_cast %get3A_277 : i32 to index
      %get3A_279 = arith.constant 96 : index
      %get3A_280 = tpu.vector_load %arg17[%get3A_278, %get3A_279] {strides = array<i32>} : memref<1x128xf32, #tpu.memory_space<vmem>>, vector<16xf32>,
      %get3A_281 = arith.constant 0 : i32
      %get3A_282 = arith.index_cast %get3A_281 : i32 to index
      %get3A_283 = arith.constant 112 : index
      %get3A_284 = tpu.vector_load %arg17[%get3A_282, %get3A_283] {strides = array<i32>} : memref<1x128xf32, #tpu.memory_space<vmem>>, vector<16xf32>,
      %scan3A_285 = arith.constant 0 : i32
      %scan3A_286 = arith.constant 100 : i32
      %scan3A_287 = arith.addi %scan3A_285, %scan3A_286 : i32
      %scan3A_288 = arith.constant 1 : i32
      scf.for %scan3A_381 = %scan3A_285 to %scan3A_287 step %scan3A_288  : i32 {
        %mul3A_382 = arith.constant 1 : i32
        %mul3A_383 = arith.muli %scan3A_381, %mul3A_382 : i32
        %add3A_384 = arith.constant 0 : i32
        %add3A_385 = arith.addi %add3A_384, %mul3A_383 : i32
        %get3A_386 = arith.index_cast %add3A_385 : i32 to index
        %get3A_387 = arith.constant 0 : index
        %get3A_388 = tpu.vector_load %arg13[%get3A_386, %get3A_387] {strides = array<i32>} : memref<100x128xf32, #tpu.memory_space<vmem>>, vector<16xf32>,
        %mul3A_389 = arith.mulf %get3A_388, %get3A_256 : vector<16xf32>
        %get3A_390 = arith.index_cast %add3A_385 : i32 to index
        %get3A_391 = arith.constant 16 : index
        %get3A_392 = tpu.vector_load %arg13[%get3A_390, %get3A_391] {strides = array<i32>} : memref<100x128xf32, #tpu.memory_space<vmem>>, vector<16xf32>,
        %mul3A_393 = arith.mulf %get3A_392, %get3A_260 : vector<16xf32>
        %add3A_394 = arith.addf %mul3A_389, %mul3A_393 : vector<16xf32>
        %get3A_395 = arith.index_cast %add3A_385 : i32 to index
        %get3A_396 = arith.constant 32 : index
        %get3A_397 = tpu.vector_load %arg13[%get3A_395, %get3A_396] {strides = array<i32>} : memref<100x128xf32, #tpu.memory_space<vmem>>, vector<16xf32>,
        %mul3A_398 = arith.mulf %get3A_397, %get3A_264 : vector<16xf32>
        %add3A_399 = arith.addf %add3A_394, %mul3A_398 : vector<16xf32>
        %get3A_400 = arith.index_cast %add3A_385 : i32 to index
        %get3A_401 = arith.constant 48 : index
        %get3A_402 = tpu.vector_load %arg13[%get3A_400, %get3A_401] {strides = array<i32>} : memref<100x128xf32, #tpu.memory_space<vmem>>, vector<16xf32>,
        %mul3A_403 = arith.mulf %get3A_402, %get3A_268 : vector<16xf32>
        %add3A_404 = arith.addf %add3A_399, %mul3A_403 : vector<16xf32>
        %get3A_405 = arith.index_cast %add3A_385 : i32 to index
        %get3A_406 = arith.constant 64 : index
        %get3A_407 = tpu.vector_load %arg13[%get3A_405, %get3A_406] {strides = array<i32>} : memref<100x128xf32, #tpu.memory_space<vmem>>, vector<16xf32>,
        %mul3A_408 = arith.mulf %get3A_407, %get3A_272 : vector<16xf32>
        %add3A_409 = arith.addf %add3A_404, %mul3A_408 : vector<16xf32>
        %get3A_410 = arith.index_cast %add3A_385 : i32 to index
        %get3A_411 = arith.constant 80 : index
        %get3A_412 = tpu.vector_load %arg13[%get3A_410, %get3A_411] {strides = array<i32>} : memref<100x128xf32, #tpu.memory_space<vmem>>, vector<16xf32>,
        %mul3A_413 = arith.mulf %get3A_412, %get3A_276 : vector<16xf32>
        %add3A_414 = arith.addf %add3A_409, %mul3A_413 : vector<16xf32>
        %get3A_415 = arith.index_cast %add3A_385 : i32 to index
        %get3A_416 = arith.constant 96 : index
        %get3A_417 = tpu.vector_load %arg13[%get3A_415, %get3A_416] {strides = array<i32>} : memref<100x128xf32, #tpu.memory_space<vmem>>, vector<16xf32>,
        %mul3A_418 = arith.mulf %get3A_417, %get3A_280 : vector<16xf32>
        %add3A_419 = arith.addf %add3A_414, %mul3A_418 : vector<16xf32>
        %get3A_420 = arith.index_cast %add3A_385 : i32 to index
        %get3A_421 = arith.constant 112 : index
        %get3A_422 = tpu.vector_load %arg13[%get3A_420, %get3A_421] {strides = array<i32>} : memref<100x128xf32, #tpu.memory_space<vmem>>, vector<16xf32>,
        %mul3A_423 = arith.mulf %get3A_422, %get3A_284 : vector<16xf32>
        %add3A_424 = arith.addf %add3A_419, %mul3A_423 : vector<16xf32>
        %mul3A_425 = arith.constant 16 : i32
        %mul3A_426 = arith.muli %add3A_385, %mul3A_425 : i32
        %add3A_427 = vector.broadcast %mul3A_426 : i32 to vector<16xi32>
        %add3A_428 = arith.addi %add3A_427, %iota3A : vector<16xi32>
        tpu.vector_store_idx %arg18[%add3A_428], %add3A_424 : memref<1792xf32, #tpu.memory_space<vmem>>[vector<16xi32>], vector<16xf32>,
      }
      %scan3A_289 = arith.constant 100 : i32
      %scan3A_290 = arith.constant 0 : i32
      %scan3A_291 = arith.constant 7 : i32
      %scan3A_292 = arith.addi %scan3A_290, %scan3A_291 : i32
      %scan3A_293 = arith.constant 1 : i32
      scf.for %scan3A_381 = %scan3A_290 to %scan3A_292 step %scan3A_293  : i32 {
        %mul3A_382 = arith.constant 1 : i32
        %mul3A_383 = arith.muli %scan3A_381, %mul3A_382 : i32
        %add3A_384 = arith.constant 0 : i32
        %add3A_385 = arith.addi %add3A_384, %mul3A_383 : i32
        %mul3A_386 = arith.constant 16 : i32
        %mul3A_387 = arith.muli %add3A_385, %mul3A_386 : i32
        %add3A_388 = vector.broadcast %mul3A_387 : i32 to vector<16xi32>
        %add3A_389 = arith.addi %add3A_388, %iota3A : vector<16xi32>
        %mul3A_390 = arith.constant 16 : i32
        %mul3A_391 = vector.broadcast %mul3A_390 : i32 to vector<16xi32>
        %mul3A_392 = arith.muli %add3A_389, %mul3A_391 : vector<16xi32>
        %gather3A_393 = tpu.vector_load_idx %arg18[%mul3A_392] : memref<1792xf32, #tpu.memory_space<vmem>>[vector<16xi32>], vector<16xf32>,
        %add3A_394 = arith.constant 1 : i32
        %add3A_395 = vector.broadcast %add3A_394 : i32 to vector<16xi32>
        %add3A_396 = arith.addi %mul3A_392, %add3A_395 : vector<16xi32>
        %gather3A_397 = tpu.vector_load_idx %arg18[%add3A_396] : memref<1792xf32, #tpu.memory_space<vmem>>[vector<16xi32>], vector<16xf32>,
        %add3A_398 = arith.addf %gather3A_393, %gather3A_397 : vector<16xf32>
        %add3A_399 = arith.constant 2 : i32
        %add3A_400 = vector.broadcast %add3A_399 : i32 to vector<16xi32>
        %add3A_401 = arith.addi %mul3A_392, %add3A_400 : vector<16xi32>
        %gather3A_402 = tpu.vector_load_idx %arg18[%add3A_401] : memref<1792xf32, #tpu.memory_space<vmem>>[vector<16xi32>], vector<16xf32>,
        %add3A_403 = arith.addf %add3A_398, %gather3A_402 : vector<16xf32>
        %add3A_404 = arith.constant 3 : i32
        %add3A_405 = vector.broadcast %add3A_404 : i32 to vector<16xi32>
        %add3A_406 = arith.addi %mul3A_392, %add3A_405 : vector<16xi32>
        %gather3A_407 = tpu.vector_load_idx %arg18[%add3A_406] : memref<1792xf32, #tpu.memory_space<vmem>>[vector<16xi32>], vector<16xf32>,
        %add3A_408 = arith.addf %add3A_403, %gather3A_407 : vector<16xf32>
        %add3A_409 = arith.constant 4 : i32
        %add3A_410 = vector.broadcast %add3A_409 : i32 to vector<16xi32>
        %add3A_411 = arith.addi %mul3A_392, %add3A_410 : vector<16xi32>
        %gather3A_412 = tpu.vector_load_idx %arg18[%add3A_411] : memref<1792xf32, #tpu.memory_space<vmem>>[vector<16xi32>], vector<16xf32>,
        %add3A_413 = arith.addf %add3A_408, %gather3A_412 : vector<16xf32>
        %add3A_414 = arith.constant 5 : i32
        %add3A_415 = vector.broadcast %add3A_414 : i32 to vector<16xi32>
        %add3A_416 = arith.addi %mul3A_392, %add3A_415 : vector<16xi32>
        %gather3A_417 = tpu.vector_load_idx %arg18[%add3A_416] : memref<1792xf32, #tpu.memory_space<vmem>>[vector<16xi32>], vector<16xf32>,
        %add3A_418 = arith.addf %add3A_413, %gather3A_417 : vector<16xf32>
        %add3A_419 = arith.constant 6 : i32
        %add3A_420 = vector.broadcast %add3A_419 : i32 to vector<16xi32>
        %add3A_421 = arith.addi %mul3A_392, %add3A_420 : vector<16xi32>
        %gather3A_422 = tpu.vector_load_idx %arg18[%add3A_421] : memref<1792xf32, #tpu.memory_space<vmem>>[vector<16xi32>], vector<16xf32>,
        %add3A_423 = arith.addf %add3A_418, %gather3A_422 : vector<16xf32>
        %add3A_424 = arith.constant 7 : i32
        %add3A_425 = vector.broadcast %add3A_424 : i32 to vector<16xi32>
        %add3A_426 = arith.addi %mul3A_392, %add3A_425 : vector<16xi32>
        %gather3A_427 = tpu.vector_load_idx %arg18[%add3A_426] : memref<1792xf32, #tpu.memory_space<vmem>>[vector<16xi32>], vector<16xf32>,
        %add3A_428 = arith.addf %add3A_423, %gather3A_427 : vector<16xf32>
        %add3A_429 = arith.constant 8 : i32
        %add3A_430 = vector.broadcast %add3A_429 : i32 to vector<16xi32>
        %add3A_431 = arith.addi %mul3A_392, %add3A_430 : vector<16xi32>
        %gather3A_432 = tpu.vector_load_idx %arg18[%add3A_431] : memref<1792xf32, #tpu.memory_space<vmem>>[vector<16xi32>], vector<16xf32>,
        %add3A_433 = arith.addf %add3A_428, %gather3A_432 : vector<16xf32>
        %add3A_434 = arith.constant 9 : i32
        %add3A_435 = vector.broadcast %add3A_434 : i32 to vector<16xi32>
        %add3A_436 = arith.addi %mul3A_392, %add3A_435 : vector<16xi32>
        %gather3A_437 = tpu.vector_load_idx %arg18[%add3A_436] : memref<1792xf32, #tpu.memory_space<vmem>>[vector<16xi32>], vector<16xf32>,
        %add3A_438 = arith.addf %add3A_433, %gather3A_437 : vector<16xf32>
        %add3A_439 = arith.constant 10 : i32
        %add3A_440 = vector.broadcast %add3A_439 : i32 to vector<16xi32>
        %add3A_441 = arith.addi %mul3A_392, %add3A_440 : vector<16xi32>
        %gather3A_442 = tpu.vector_load_idx %arg18[%add3A_441] : memref<1792xf32, #tpu.memory_space<vmem>>[vector<16xi32>], vector<16xf32>,
        %add3A_443 = arith.addf %add3A_438, %gather3A_442 : vector<16xf32>
        %add3A_444 = arith.constant 11 : i32
        %add3A_445 = vector.broadcast %add3A_444 : i32 to vector<16xi32>
        %add3A_446 = arith.addi %mul3A_392, %add3A_445 : vector<16xi32>
        %gather3A_447 = tpu.vector_load_idx %arg18[%add3A_446] : memref<1792xf32, #tpu.memory_space<vmem>>[vector<16xi32>], vector<16xf32>,
        %add3A_448 = arith.addf %add3A_443, %gather3A_447 : vector<16xf32>
        %add3A_449 = arith.constant 12 : i32
        %add3A_450 = vector.broadcast %add3A_449 : i32 to vector<16xi32>
        %add3A_451 = arith.addi %mul3A_392, %add3A_450 : vector<16xi32>
        %gather3A_452 = tpu.vector_load_idx %arg18[%add3A_451] : memref<1792xf32, #tpu.memory_space<vmem>>[vector<16xi32>], vector<16xf32>,
        %add3A_453 = arith.addf %add3A_448, %gather3A_452 : vector<16xf32>
        %add3A_454 = arith.constant 13 : i32
        %add3A_455 = vector.broadcast %add3A_454 : i32 to vector<16xi32>
        %add3A_456 = arith.addi %mul3A_392, %add3A_455 : vector<16xi32>
        %gather3A_457 = tpu.vector_load_idx %arg18[%add3A_456] : memref<1792xf32, #tpu.memory_space<vmem>>[vector<16xi32>], vector<16xf32>,
        %add3A_458 = arith.addf %add3A_453, %gather3A_457 : vector<16xf32>
        %add3A_459 = arith.constant 14 : i32
        %add3A_460 = vector.broadcast %add3A_459 : i32 to vector<16xi32>
        %add3A_461 = arith.addi %mul3A_392, %add3A_460 : vector<16xi32>
        %gather3A_462 = tpu.vector_load_idx %arg18[%add3A_461] : memref<1792xf32, #tpu.memory_space<vmem>>[vector<16xi32>], vector<16xf32>,
        %add3A_463 = arith.addf %add3A_458, %gather3A_462 : vector<16xf32>
        %add3A_464 = arith.constant 15 : i32
        %add3A_465 = vector.broadcast %add3A_464 : i32 to vector<16xi32>
        %add3A_466 = arith.addi %mul3A_392, %add3A_465 : vector<16xi32>
        %gather3A_467 = tpu.vector_load_idx %arg18[%add3A_466] : memref<1792xf32, #tpu.memory_space<vmem>>[vector<16xi32>], vector<16xf32>,
        %add3A_468 = arith.addf %add3A_463, %gather3A_467 : vector<16xf32>
        %mul3A_469 = arith.constant 16 : i32
        %mul3A_470 = arith.muli %add3A_385, %mul3A_469 : i32
        %add3A_471 = vector.broadcast %mul3A_470 : i32 to vector<16xi32>
        %add3A_472 = arith.addi %add3A_471, %iota3A : vector<16xi32>
        tpu.vector_store_idx %arg19[%add3A_472], %add3A_468 : memref<112xf32, #tpu.memory_space<vmem>>[vector<16xi32>], vector<16xf32>,
      }
      %scan3A_294 = arith.constant 7 : i32
      %broadcast_in_dim3A_295 = arith.constant 0 : i32
      %broadcast_in_dim3A_296 = vector.broadcast %broadcast_in_dim3A_295 : i32 to vector<16xi32>
      %add3A_297 = vector.broadcast %mul3A_252 : i32 to vector<16xi32>
      %add3A_298 = arith.addi %add3A_297, %iota3A : vector<16xi32>
      %gather3A_299 = tpu.vector_load_idx %arg9[%add3A_298] : memref<640xi32, #tpu.memory_space<vmem>>[vector<16xi32>], vector<16xi32>,
      %add3A_300 = arith.constant 16 : i32
      %add3A_301 = arith.addi %mul3A_252, %add3A_300 : i32
      %min3A_302 = arith.constant 3 : i32
      %min3A_303 = vector.broadcast %min3A_302 : i32 to vector<16xi32>
      %min3A_304 = arith.minsi %iota3A, %min3A_303 : vector<16xi32>
      %add3A_305 = vector.broadcast %add3A_301 : i32 to vector<16xi32>
      %add3A_306 = arith.addi %add3A_305, %min3A_304 : vector<16xi32>
      %gather3A_307 = tpu.vector_load_idx %arg9[%add3A_306] : memref<640xi32, #tpu.memory_space<vmem>>[vector<16xi32>], vector<16xi32>,
      %gather3A_308 = tpu.vector_load_idx %arg15[%broadcast_in_dim3A_296, %gather3A_299] : memref<1x2048xf32, #tpu.memory_space<vmem>>[vector<16xi32>, vector<16xi32>], vector<16xf32>,
      %gather3A_309 = tpu.vector_load_idx %arg15[%broadcast_in_dim3A_296, %gather3A_307] : memref<1x2048xf32, #tpu.memory_space<vmem>>[vector<16xi32>, vector<16xi32>], vector<16xf32>,
      %scan3A_310 = arith.constant 0 : i32
      %scan3A_311 = arith.constant 4 : i32
      %scan3A_312 = arith.addi %scan3A_310, %scan3A_311 : i32
      %scan3A_313 = arith.constant 1 : i32
      %scan3A_314:2 = scf.for %scan3A_381 = %scan3A_310 to %scan3A_312 step %scan3A_313 iter_args(%scan3A_382 = %gather3A_308, %scan3A_383 = %gather3A_309) -> (vector<16xf32>, vector<16xf32>)  : i32 {
        %mul3A_384 = arith.constant 1 : i32
        %mul3A_385 = arith.muli %scan3A_381, %mul3A_384 : i32
        %add3A_386 = arith.constant 0 : i32
        %add3A_387 = arith.addi %add3A_386, %mul3A_385 : i32
        %mul3A_388 = arith.constant 20 : i32
        %mul3A_389 = arith.muli %add3A_387, %mul3A_388 : i32
        %add3A_390 = vector.broadcast %mul3A_389 : i32 to vector<16xi32>
        %add3A_391 = arith.addi %add3A_390, %iota3A : vector<16xi32>
        %gather3A_392 = tpu.vector_load_idx %arg19[%add3A_391] : memref<112xf32, #tpu.memory_space<vmem>>[vector<16xi32>], vector<16xf32>,
        %mul3A_393 = arith.constant 20 : i32
        %mul3A_394 = arith.muli %add3A_387, %mul3A_393 : i32
        %add3A_395 = arith.constant 16 : i32
        %add3A_396 = arith.addi %mul3A_394, %add3A_395 : i32
        %add3A_397 = vector.broadcast %add3A_396 : i32 to vector<16xi32>
        %add3A_398 = arith.addi %add3A_397, %iota3A : vector<16xi32>
        %gather3A_399 = tpu.vector_load_idx %arg19[%add3A_398] : memref<112xf32, #tpu.memory_space<vmem>>[vector<16xi32>], vector<16xf32>,
        %neg3A_400 = arith.constant 0.000000e+00 : f32
        %neg3A_401 = vector.broadcast %neg3A_400 : f32 to vector<16xf32>
        %neg3A_402 = arith.subf %neg3A_401, %gather3A_392 : vector<16xf32>
        %exp3A_403 = math.exp %neg3A_402 : vector<16xf32>
        %add3A_404 = arith.constant 1.000000e+00 : f32
        %add3A_405 = vector.broadcast %add3A_404 : f32 to vector<16xf32>
        %add3A_406 = arith.addf %add3A_405, %exp3A_403 : vector<16xf32>
        %div3A_407 = arith.constant 1.000000e+00 : f32
        %div3A_408 = vector.broadcast %div3A_407 : f32 to vector<16xf32>
        %div3A_409 = arith.divf %div3A_408, %add3A_406 : vector<16xf32>
        %mul3A_410 = arith.mulf %scan3A_382, %div3A_409 : vector<16xf32>
        %neg3A_411 = arith.constant 0.000000e+00 : f32
        %neg3A_412 = vector.broadcast %neg3A_411 : f32 to vector<16xf32>
        %neg3A_413 = arith.subf %neg3A_412, %gather3A_399 : vector<16xf32>
        %exp3A_414 = math.exp %neg3A_413 : vector<16xf32>
        %add3A_415 = arith.constant 1.000000e+00 : f32
        %add3A_416 = vector.broadcast %add3A_415 : f32 to vector<16xf32>
        %add3A_417 = arith.addf %add3A_416, %exp3A_414 : vector<16xf32>
        %div3A_418 = arith.constant 1.000000e+00 : f32
        %div3A_419 = vector.broadcast %div3A_418 : f32 to vector<16xf32>
        %div3A_420 = arith.divf %div3A_419, %add3A_417 : vector<16xf32>
        %mul3A_421 = arith.mulf %scan3A_383, %div3A_420 : vector<16xf32>
        scf.yield %mul3A_410, %mul3A_421 : vector<16xf32>, vector<16xf32>
      }
      %scan3A_315 = arith.constant 4 : i32
      %add3A_316 = vector.broadcast %mul3A_252 : i32 to vector<16xi32>
      %add3A_317 = arith.addi %add3A_316, %iota3A : vector<16xi32>
      %gather3A_318 = tpu.vector_load_idx %arg8[%add3A_317] : memref<640xi32, #tpu.memory_space<vmem>>[vector<16xi32>], vector<16xi32>,
      %add3A_319 = arith.constant 16 : i32
      %add3A_320 = arith.addi %mul3A_252, %add3A_319 : i32
      %min3A_321 = arith.constant 3 : i32
      %min3A_322 = vector.broadcast %min3A_321 : i32 to vector<16xi32>
      %min3A_323 = arith.minsi %iota3A, %min3A_322 : vector<16xi32>
      %add3A_324 = vector.broadcast %add3A_320 : i32 to vector<16xi32>
      %add3A_325 = arith.addi %add3A_324, %min3A_323 : vector<16xi32>
      %gather3A_326 = tpu.vector_load_idx %arg8[%add3A_325] : memref<640xi32, #tpu.memory_space<vmem>>[vector<16xi32>], vector<16xi32>,
      %add3A_327 = arith.constant 80 : i32
      %add3A_328 = vector.broadcast %add3A_327 : i32 to vector<16xi32>
      %add3A_329 = arith.addi %add3A_328, %iota3A : vector<16xi32>
      %gather3A_330 = tpu.vector_load_idx %arg19[%add3A_329] : memref<112xf32, #tpu.memory_space<vmem>>[vector<16xi32>], vector<16xf32>,
      %add3A_331 = arith.constant 96 : i32
      %add3A_332 = vector.broadcast %add3A_331 : i32 to vector<16xi32>
      %add3A_333 = arith.addi %add3A_332, %iota3A : vector<16xi32>
      %gather3A_334 = tpu.vector_load_idx %arg19[%add3A_333] : memref<112xf32, #tpu.memory_space<vmem>>[vector<16xi32>], vector<16xf32>,
      %add3A_335 = arith.constant 100000 : i32
      %add3A_336 = vector.broadcast %add3A_335 : i32 to vector<16xi32>
      %add3A_337 = arith.addi %gather3A_318, %add3A_336 : vector<16xi32>
      %ge3A_338 = arith.constant 131072 : i32
      %ge3A_339 = vector.broadcast %ge3A_338 : i32 to vector<16xi32>
      %ge3A_340 = arith.cmpi sge, %add3A_337, %ge3A_339 : vector<16xi32>
      %neg3A_341 = arith.constant 0.000000e+00 : f32
      %neg3A_342 = vector.broadcast %neg3A_341 : f32 to vector<16xf32>
      %neg3A_343 = arith.subf %neg3A_342, %gather3A_330 : vector<16xf32>
      %exp3A_344 = math.exp %neg3A_343 : vector<16xf32>
      %add3A_345 = arith.constant 1.000000e+00 : f32
      %add3A_346 = vector.broadcast %add3A_345 : f32 to vector<16xf32>
      %add3A_347 = arith.addf %add3A_346, %exp3A_344 : vector<16xf32>
      %div3A_348 = arith.constant 1.000000e+00 : f32
      %div3A_349 = vector.broadcast %div3A_348 : f32 to vector<16xf32>
      %div3A_350 = arith.divf %div3A_349, %add3A_347 : vector<16xf32>
      %jit3A_351 = arith.constant 1.000000e+00 : f32
      %broadcast_in_dim3A_352 = vector.broadcast %jit3A_351 : f32 to vector<16xf32>
      %select_n3A_353 = arith.select %ge3A_340, %div3A_350, %broadcast_in_dim3A_352 : vector<16xi1>, vector<16xf32>
      %mul3A_354 = arith.mulf %scan3A_314#0, %select_n3A_353 : vector<16xf32>
      %add3A_355 = arith.constant 100000 : i32
      %add3A_356 = vector.broadcast %add3A_355 : i32 to vector<16xi32>
      %add3A_357 = arith.addi %gather3A_326, %add3A_356 : vector<16xi32>
      %ge3A_358 = arith.constant 131072 : i32
      %ge3A_359 = vector.broadcast %ge3A_358 : i32 to vector<16xi32>
      %ge3A_360 = arith.cmpi sge, %add3A_357, %ge3A_359 : vector<16xi32>
      %neg3A_361 = arith.constant 0.000000e+00 : f32
      %neg3A_362 = vector.broadcast %neg3A_361 : f32 to vector<16xf32>
      %neg3A_363 = arith.subf %neg3A_362, %gather3A_334 : vector<16xf32>
      %exp3A_364 = math.exp %neg3A_363 : vector<16xf32>
      %add3A_365 = arith.constant 1.000000e+00 : f32
      %add3A_366 = vector.broadcast %add3A_365 : f32 to vector<16xf32>
      %add3A_367 = arith.addf %add3A_366, %exp3A_364 : vector<16xf32>
      %div3A_368 = arith.constant 1.000000e+00 : f32
      %div3A_369 = vector.broadcast %div3A_368 : f32 to vector<16xf32>
      %div3A_370 = arith.divf %div3A_369, %add3A_367 : vector<16xf32>
      %jit3A_371 = arith.constant 1.000000e+00 : f32
      %broadcast_in_dim3A_372 = vector.broadcast %jit3A_371 : f32 to vector<16xf32>
      %select_n3A_373 = arith.select %ge3A_360, %div3A_370, %broadcast_in_dim3A_372 : vector<16xi1>, vector<16xf32>
      %mul3A_374 = arith.mulf %scan3A_314#1, %select_n3A_373 : vector<16xf32>
      %swap3A_375 = arith.index_cast %add3A_250 : i32 to index
      %swap3A_376 = arith.constant 0 : index
      %swap3A_377 = tpu.vector_load %arg20[%swap3A_375, %swap3A_376] {strides = array<i32>} : memref<32x32xf32, #tpu.memory_space<vmem>>, vector<16xf32>,
      tpu.vector_store %arg20[%swap3A_375, %swap3A_376], %mul3A_354 {strides = array<i32>} : memref<32x32xf32, #tpu.memory_space<vmem>>, vector<16xf32>,
      %swap3A_378 = arith.index_cast %add3A_250 : i32 to index
      %swap3A_379 = arith.constant 16 : index
      %swap3A_380 = tpu.vector_load %arg20[%swap3A_378, %swap3A_379] {strides = array<i32>} : memref<32x32xf32, #tpu.memory_space<vmem>>, vector<16xf32>,
      tpu.vector_store %arg20[%swap3A_378, %swap3A_379], %mul3A_374 {strides = array<i32>} : memref<32x32xf32, #tpu.memory_space<vmem>>, vector<16xf32>,
    }
    %scan3A_46 = arith.constant 16 : i32
    %mul3A_47 = arith.constant 32 : i32
    %mul3A_48 = arith.muli %add3A, %mul3A_47 : i32
    "tpu.region"() ({
      %run_scoped3A = tpu.sem_alloc : memref<!tpu.dma_semaphore, #tpu.memory_space<semaphore_mem>>
      %dma_start3A_49 = arith.constant 0 : i32
      %dma_start3A_50 = tpu.memref_slice %arg7[%mul3A_48, %dma_start3A_49] : memref<1024x32xf32, #tpu.memory_space<hbm>> -> memref<32x32xf32, #tpu.memory_space<hbm>>
      %dma_start3A_51 = arith.constant 0 : i32
      %dma_start3A_52 = tpu.memref_slice %arg7[%mul3A_48, %dma_start3A_51] : memref<1024x32xf32, #tpu.memory_space<hbm>> -> memref<32x32xf32, #tpu.memory_space<hbm>>
      tpu.enqueue_dma source(%arg20 : memref<32x32xf32, #tpu.memory_space<vmem>>) target(%dma_start3A_52 : memref<32x32xf32, #tpu.memory_space<hbm>>) target_semaphore(%run_scoped3A : memref<!tpu.dma_semaphore, #tpu.memory_space<semaphore_mem>>)
      %dma_wait3A = arith.constant 0 : i32
      %dma_wait3A_53 = tpu.memref_slice %arg7[%mul3A_48, %dma_wait3A] : memref<1024x32xf32, #tpu.memory_space<hbm>> -> memref<32x32xf32, #tpu.memory_space<hbm>>
      %dma_wait3A_54 = arith.constant 0 : i32
      %dma_wait3A_55 = tpu.memref_slice %arg7[%mul3A_48, %dma_wait3A_54] : memref<1024x32xf32, #tpu.memory_space<hbm>> -> memref<32x32xf32, #tpu.memory_space<hbm>>
      tpu.wait_dma2 semaphore(%run_scoped3A : memref<!tpu.dma_semaphore, #tpu.memory_space<semaphore_mem>>) src(%arg20 : memref<32x32xf32, #tpu.memory_space<vmem>>) dst(%dma_wait3A_55 : memref<32x32xf32, #tpu.memory_space<hbm>>)
      tpu.yield
    }) : () -> ()
    return
  }
}

module attributes {stable_mosaic.version = 14 : i64} {
  func.func @_top_body(%arg0: i32, %arg1: memref<256x128xf32, #tpu.memory_space<vmem>>, %arg2: memref<4096x128xf32, #tpu.memory_space<vmem>>, %arg3: memref<256x2048xf32, #tpu.memory_space<vmem>>) attributes {dimension_semantics = [#tpu.dimension_semantics<arbitrary>], iteration_bounds = array<i64: 4>, scalar_prefetch = 0 : i64, scratch_operands = 0 : i64, tpu.core_type = #tpu.core_type<tc>, window_params = [{transform_indices = @transform_0, window_bounds = array<i64: 256, 128>}, {pipeline_mode = #tpu.pipeline_mode<synchronous>, transform_indices = @transform_1, window_bounds = array<i64: 4096, 128>}, {transform_indices = @transform_2, window_bounds = array<i64: 256, 2048>}]} {
    %get3A = arith.constant 0 : index
    %get3A_0 = arith.constant 0 : index
    %get3A_1 = vector.load %arg1[%get3A, %get3A_0] : memref<256x128xf32, #tpu.memory_space<vmem>>, vector<256x128xf32>
    %get3A_2 = arith.constant 0 : index
    %get3A_3 = arith.constant 0 : index
    %get3A_4 = vector.load %arg2[%get3A_2, %get3A_3] : memref<4096x128xf32, #tpu.memory_space<vmem>>, vector<4096x128xf32>
    %dot_general3A = arith.constant dense<0.000000e+00> : vector<256x4096xf32>
    %dot_general3A_5 = tpu.matmul %get3A_1, %get3A_4, %dot_general3A {dimension_numbers = #tpu.dot_dimension_numbers<[1], [1], [0], [0], [0, 0, 1, 0], [], []>, transpose_lhs_hint = false} : vector<256x128xf32>, vector<4096x128xf32>, vector<256x4096xf32> -> vector<256x4096xf32>
    %neg3A = arith.constant 0.000000e+00 : f32
    %neg3A_6 = vector.broadcast %neg3A : f32 to vector<256x4096xf32>
    %neg3A_7 = arith.subf %neg3A_6, %dot_general3A_5 : vector<256x4096xf32>
    %exp3A = math.exp %neg3A_7 : vector<256x4096xf32>
    %add3A = arith.constant 1.000000e+00 : f32
    %add3A_8 = vector.broadcast %add3A : f32 to vector<256x4096xf32>
    %add3A_9 = arith.addf %add3A_8, %exp3A : vector<256x4096xf32>
    %div3A = arith.constant 1.000000e+00 : f32
    %div3A_10 = vector.broadcast %div3A : f32 to vector<256x4096xf32>
    %div3A_11 = arith.divf %div3A_10, %add3A_9 : vector<256x4096xf32>
    %slice3A = vector.extract_strided_slice %div3A_11 {offsets = [0, 0], sizes = [256, 1], strides = [1, 1]} : vector<256x4096xf32> to vector<256x1xf32>
    %concatenate3A = tpu.concatenate %slice3A, %slice3A in 1 : vector<256x1xf32>, vector<256x1xf32> -> vector<256x2xf32>
    %slice3A_12 = vector.extract_strided_slice %div3A_11 {offsets = [0, 1], sizes = [256, 2], strides = [1, 1]} : vector<256x4096xf32> to vector<256x2xf32>
    %mul3A = arith.mulf %concatenate3A, %slice3A_12 : vector<256x2xf32>
    %concatenate3A_13 = tpu.concatenate %mul3A, %mul3A in 1 : vector<256x2xf32>, vector<256x2xf32> -> vector<256x4xf32>
    %slice3A_14 = vector.extract_strided_slice %div3A_11 {offsets = [0, 3], sizes = [256, 4], strides = [1, 1]} : vector<256x4096xf32> to vector<256x4xf32>
    %mul3A_15 = arith.mulf %concatenate3A_13, %slice3A_14 : vector<256x4xf32>
    %concatenate3A_16 = tpu.concatenate %mul3A_15, %mul3A_15 in 1 : vector<256x4xf32>, vector<256x4xf32> -> vector<256x8xf32>
    %slice3A_17 = vector.extract_strided_slice %div3A_11 {offsets = [0, 7], sizes = [256, 8], strides = [1, 1]} : vector<256x4096xf32> to vector<256x8xf32>
    %mul3A_18 = arith.mulf %concatenate3A_16, %slice3A_17 : vector<256x8xf32>
    %concatenate3A_19 = tpu.concatenate %mul3A_18, %mul3A_18 in 1 : vector<256x8xf32>, vector<256x8xf32> -> vector<256x16xf32>
    %slice3A_20 = vector.extract_strided_slice %div3A_11 {offsets = [0, 15], sizes = [256, 16], strides = [1, 1]} : vector<256x4096xf32> to vector<256x16xf32>
    %mul3A_21 = arith.mulf %concatenate3A_19, %slice3A_20 : vector<256x16xf32>
    %concatenate3A_22 = tpu.concatenate %mul3A_21, %mul3A_21 in 1 : vector<256x16xf32>, vector<256x16xf32> -> vector<256x32xf32>
    %slice3A_23 = vector.extract_strided_slice %div3A_11 {offsets = [0, 31], sizes = [256, 32], strides = [1, 1]} : vector<256x4096xf32> to vector<256x32xf32>
    %mul3A_24 = arith.mulf %concatenate3A_22, %slice3A_23 : vector<256x32xf32>
    %concatenate3A_25 = tpu.concatenate %mul3A_24, %mul3A_24 in 1 : vector<256x32xf32>, vector<256x32xf32> -> vector<256x64xf32>
    %slice3A_26 = vector.extract_strided_slice %div3A_11 {offsets = [0, 63], sizes = [256, 64], strides = [1, 1]} : vector<256x4096xf32> to vector<256x64xf32>
    %mul3A_27 = arith.mulf %concatenate3A_25, %slice3A_26 : vector<256x64xf32>
    %concatenate3A_28 = tpu.concatenate %mul3A_27, %mul3A_27 in 1 : vector<256x64xf32>, vector<256x64xf32> -> vector<256x128xf32>
    %slice3A_29 = vector.extract_strided_slice %div3A_11 {offsets = [0, 127], sizes = [256, 128], strides = [1, 1]} : vector<256x4096xf32> to vector<256x128xf32>
    %mul3A_30 = arith.mulf %concatenate3A_28, %slice3A_29 : vector<256x128xf32>
    %concatenate3A_31 = tpu.concatenate %mul3A_30, %mul3A_30 in 1 : vector<256x128xf32>, vector<256x128xf32> -> vector<256x256xf32>
    %slice3A_32 = vector.extract_strided_slice %div3A_11 {offsets = [0, 255], sizes = [256, 256], strides = [1, 1]} : vector<256x4096xf32> to vector<256x256xf32>
    %mul3A_33 = arith.mulf %concatenate3A_31, %slice3A_32 : vector<256x256xf32>
    %concatenate3A_34 = tpu.concatenate %mul3A_33, %mul3A_33 in 1 : vector<256x256xf32>, vector<256x256xf32> -> vector<256x512xf32>
    %slice3A_35 = vector.extract_strided_slice %div3A_11 {offsets = [0, 511], sizes = [256, 512], strides = [1, 1]} : vector<256x4096xf32> to vector<256x512xf32>
    %mul3A_36 = arith.mulf %concatenate3A_34, %slice3A_35 : vector<256x512xf32>
    %concatenate3A_37 = tpu.concatenate %mul3A_36, %mul3A_36 in 1 : vector<256x512xf32>, vector<256x512xf32> -> vector<256x1024xf32>
    %slice3A_38 = vector.extract_strided_slice %div3A_11 {offsets = [0, 1023], sizes = [256, 1024], strides = [1, 1]} : vector<256x4096xf32> to vector<256x1024xf32>
    %mul3A_39 = arith.mulf %concatenate3A_37, %slice3A_38 : vector<256x1024xf32>
    %concatenate3A_40 = tpu.concatenate %mul3A_39, %mul3A_39 in 1 : vector<256x1024xf32>, vector<256x1024xf32> -> vector<256x2048xf32>
    %slice3A_41 = vector.extract_strided_slice %div3A_11 {offsets = [0, 2047], sizes = [256, 2048], strides = [1, 1]} : vector<256x4096xf32> to vector<256x2048xf32>
    %mul3A_42 = arith.mulf %concatenate3A_40, %slice3A_41 : vector<256x2048xf32>
    %swap3A = arith.constant 0 : index
    %swap3A_43 = arith.constant 0 : index
    %swap3A_44 = vector.load %arg3[%swap3A, %swap3A_43] : memref<256x2048xf32, #tpu.memory_space<vmem>>, vector<256x2048xf32>
    tpu.vector_store %arg3[%swap3A, %swap3A_43], %mul3A_42 {strides = array<i32>} : memref<256x2048xf32, #tpu.memory_space<vmem>>, vector<256x2048xf32>,
    return
  }
  func.func @transform_0(%arg0: i32) -> (i32, i32) {
    %c0_i32 = arith.constant 0 : i32
    %c0_i32_0 = arith.constant 0 : i32
    return %arg0, %c0_i32 : i32, i32
  }
  func.func @transform_1(%arg0: i32) -> (i32, i32) {
    %c0_i32 = arith.constant 0 : i32
    %c0_i32_0 = arith.constant 0 : i32
    %c0_i32_1 = arith.constant 0 : i32
    return %c0_i32, %c0_i32_0 : i32, i32
  }
  func.func @transform_2(%arg0: i32) -> (i32, i32) {
    %c0_i32 = arith.constant 0 : i32
    %c0_i32_0 = arith.constant 0 : i32
    return %arg0, %c0_i32 : i32, i32
  }
}

</mosaic_0001>

<sc_bundles>
// kernel: _hsm.4.cloned.1.call-start
scs
__scs_entry_jumppad:
0x0: {  	(pc) =	sbr.rel $0x88, $3  }
0x1: {  	(tag) =	ssettag $0x0;
	lr =	simm.s32 $0x1  }
0x2: {  	[smem:$0x3F9E] =	sst lr;
	_ =	strace $0xD0000000  }
0x3: {  	_ = 	snop  }
0x4: {  	_ = 	snop  }
0x5: {  	_ = 	snop  }
0x6: {  	_ = 	snop  }
0x7: {  	_ = 	snop  }
__scs_overlays_trampoline_lowered:
0x8: {  	[smem:$0x3FAD] =	sst s0  }
0x9: {  	[smem:$0x3FAE] =	sst s1  }
0xa: {  	[smem:$0x3FAF] =	sst s2  }
0xb: {  	[smem:$0x3FB0] =	sst s3  }
0xc: {  	[smem:$0x3FB1] =	sst s4  }
0xd: {  	[smem:$0x3FB2] =	sst s5  }
0xe: {  	[smem:$0x3FB3] =	sst s6  }
0xf: {  	[smem:$0x3FB4] =	sst s7  }
0x10: {  	[smem:$0x3FB5] =	sst s8  }
0x11: {  	[smem:$0x3FB6] =	sst s9;
	s0 =	simm.s32 @!p0 $0x0  }
0x12: {  	s1 =	sld [smem:$0x3F9C];
	s0 =	simm.s32 @p0 $0x1  }
0x13: {  	[smem:$0x3FB7] =	sst s0;
	s0 =	simm.s32 @!p1 $0x0  }
0x14: {  	s2 =	sld [smem:$0x3F9B];
	s0 =	simm.s32 @p1 $0x1  }
0x15: {  	[smem:$0x3FB8] =	sst s0;
	s0 =	simm.s32 @!p2 $0x0  }
0x16: {  	s3 =	sld [smem:$0x3FDB];
	s0 =	simm.s32 @p2 $0x1  }
0x17: {  	s4 =	simm.s32 $0x1BF5;
	[smem:$0x3FBA] =	sst s0  }
0x18: {  	s0 =	sld [smem:$0x3F9D];
	_ =	swait.ge [sflag:s4], $0x0  }
0x19: {  	s7 =	sld [smem:$0x3F9E]  }
0x1a: {  	s8 =	sadd.s32 $0xFFFFE003, lr  }
0x1b: {  	s9 =	sadd.s32 $0xFFFFFEF7, lr;
	s5 =	simm.s32 $0xFFFFFFFF;
	p2 =	slt.u32 s8, $0xFFFFF086  }
0x1c: {  	p1 =	slt.u32 s9, $0xF7A;
	s5 =	simm.s32 @!p2 $0x0  }
0x1d: {  	s5 =	simm.s32 @p1 $0x1;
	p0 =	seq.s32 s7, s2  }
0x1e: {  	s7 =	smul.u32 @!p0 $0xF7A, s2;
	p2 =	seq.s32 @!p0 s5, $0x0  }
0x1f: {  	s9 =	smul.u32 $0xF7A, s1;
	s8 =	simm.s32 @!p0 $0x1BF5;
	p2 =	por !p2, p0  }
0x20: {  	[sflag:s8] =	ssyncset.s32 @!p0 $0xFFFFF086;
	s6 =	sadd.s32 @!p0 s3, s7;
	s7 =	simm.s32 @!p0 $0x108  }
0x21: {  	s3 =	sadd.s32 s3, s9;
	s6 =	sadd.s32 @!p0 $0x88, s6;
	s7 =	simm.s32 @p2 $0x1082  }
0x22: {  	[simem:s7], [sflag:s8] =	dma.local @!p0 [hbm:s6], $0xF7A  }
0x23: {  	s9 =	sor.u32 $0xD0000000, s2;
	s6 =	simm.s32 $0x108;
	_ =	swait.ge @!p0 [sflag:s8], $0x0  }
0x24: {  	s3 =	sadd.s32 $0x88, s3;
	s6 =	simm.s32 @!p1 $0x1082;
	[sflag:s4] =	ssyncset.s32 $0xFFFFF086  }
0x25: {  	[simem:s6], [sflag:s4] =	dma.local [hbm:s3], $0xF7A  }
0x26: {  	[smem:$0x3F9E] =	sst s1;
	(tag) =	ssettag s2;
	_ =	strace s9  }
0x27: {  	s1 =	sld [smem:$0x3FAE]  }
0x28: {  	s2 =	sld [smem:$0x3FAF]  }
0x29: {  	s4 =	sld [smem:$0x3FB1]  }
0x2a: {  	p0 =	seq.s32 s5, $0x0;
	s5 =	sld [smem:$0x3FB2]  }
0x2b: {  	s6 =	sld [smem:$0x3FB3]  }
0x2c: {  	s7 =	sld [smem:$0x3FB4]  }
0x2d: {  	s3 =	simm.s32 $0x108;
	s8 =	sld [smem:$0x3FB5]  }
0x2e: {  	s3 =	simm.s32 @!p0 $0x1082;
	s9 =	sld [smem:$0x3FB6]  }
0x2f: {  	lr =	sadd.s32 s0, s3;
	s0 =	sld [smem:$0x3FAD]  }
0x30: {  	s3 =	sld [smem:$0x3FB0]  }
0x31: {  	[smem:$0x3FB9] =	sst s10  }
0x32: {  	s10 =	sld [smem:$0x3FB7];
	_ =	sdelay $0x3  }
0x33: {  	p0 =	seq.s32 s10, $0x1;
	s10 =	sld [smem:$0x3FB9];
	_ =	sdelay $0x3  }
0x34: {  	[smem:$0x3FB9] =	sst s10  }
0x35: {  	s10 =	sld [smem:$0x3FB8];
	_ =	sdelay $0x3  }
0x36: {  	p1 =	seq.s32 s10, $0x1;
	s10 =	sld [smem:$0x3FB9];
	_ =	sdelay $0x3  }
0x37: {  	[smem:$0x3FB9] =	sst s10  }
0x38: {  	s10 =	sld [smem:$0x3FBA]  }
0x39: {  	_ = 	snop;
	(pc) =	sbr.ind lr, $3  }
0x3a: {  	_ = 	snop  }
0x3b: {  	_ = 	snop  }
0x3c: {  	p2 =	seq.s32 s10, $0x1;
	s10 =	sld [smem:$0x3FB9]  }
0x3d: {  	_ =	shalt  }
0x3e: {  	_ =	shalt  }
0x3f: {  	_ =	shalt  }
0x40: {  	_ =	shalt  }
0x41: {  	_ =	shalt  }
0x42: {  	_ =	shalt  }
0x43: {  	_ =	shalt  }
0x44: {  	_ =	shalt  }
0x45: {  	_ =	shalt  }
0x46: {  	_ =	shalt  }
0x47: {  	_ =	shalt  }
0x48: {  	_ =	shalt  }
0x49: {  	_ =	shalt  }
0x4a: {  	_ =	shalt  }
0x4b: {  	_ =	shalt  }
0x4c: {  	_ =	shalt  }
0x4d: {  	_ =	shalt  }
0x4e: {  	_ =	shalt  }
0x4f: {  	_ =	shalt  }
0x50: {  	_ =	shalt  }
0x51: {  	_ =	shalt  }
0x52: {  	_ =	shalt  }
0x53: {  	_ =	shalt  }
0x54: {  	_ =	shalt  }
0x55: {  	_ =	shalt  }
0x56: {  	_ =	shalt  }
0x57: {  	_ =	shalt  }
0x58: {  	_ =	shalt  }
0x59: {  	_ =	shalt  }
0x5a: {  	_ =	shalt  }
0x5b: {  	_ =	shalt  }
0x5c: {  	_ =	shalt  }
0x5d: {  	_ =	shalt  }
0x5e: {  	_ =	shalt  }
0x5f: {  	_ =	shalt  }
0x60: {  	_ =	shalt  }
0x61: {  	_ =	shalt  }
0x62: {  	_ =	shalt  }
0x63: {  	_ =	shalt  }
0x64: {  	_ =	shalt  }
0x65: {  	_ =	shalt  }
0x66: {  	_ =	shalt  }
0x67: {  	_ =	shalt  }
0x68: {  	_ =	shalt  }
0x69: {  	_ =	shalt  }
0x6a: {  	_ =	shalt  }
0x6b: {  	_ =	shalt  }
0x6c: {  	_ =	shalt  }
0x6d: {  	_ =	shalt  }
0x6e: {  	_ =	shalt  }
0x6f: {  	_ =	shalt  }
0x70: {  	_ =	shalt  }
0x71: {  	_ =	shalt  }
0x72: {  	_ =	shalt  }
0x73: {  	_ =	shalt  }
0x74: {  	_ =	shalt  }
0x75: {  	_ =	shalt  }
0x76: {  	_ =	shalt  }
0x77: {  	_ =	shalt  }
0x78: {  	_ =	shalt  }
0x79: {  	_ =	shalt  }
0x7a: {  	_ =	shalt  }
0x7b: {  	_ =	shalt  }
0x7c: {  	_ =	shalt  }
0x7d: {  	_ =	shalt  }
0x7e: {  	_ =	shalt  }
0x7f: {  	_ =	shalt  }
0x80: {  	_ =	shalt  }
0x81: {  	_ =	shalt  }
0x82: {  	_ =	shalt  }
0x83: {  	_ =	shalt  }
0x84: {  	_ =	shalt  }
0x85: {  	_ =	shalt  }
0x86: {  	_ =	shalt  }
0x87: {  	_ =	shalt  }
.Lfunc_end0:
.L_simem_size_0:
called_computation.1_lowered:
.L_overlay_start_0:
0x88: {  	s2 =	sld [smem:$0x3FD9]  }
0x89: {  	s3 =	sld [smem:$0x3FFE];
	_ =	sdelay $0x1  }
0x8a: {  	s1 =	srdreg.scid  }
0x8b: {  	s0 =	sand.u32 $0x1, s1  }
0x8c: {  	s17 =	sshll.u32 s0, $0xA;
	s2 =	sadd.s32 s3, s2  }
0x8d: {  	s2 =	sadd.s32 s2, s17  }
0x8e: {  	[smem:$0x3FC5] =	sst s2  }
0x8f: {  	_ = 	snop  }
0x90: {  	s2 =	sld [smem:$0x3FC9]  }
0x91: {  	s18 =	sld [smem:$0x3FC8]  }
0x92: {  	s4 =	sld [smem:$0x3FC7]  }
0x93: {  	s5 =	sld [smem:$0x3FD0];
	(tm) =	ssettm $0x1  }
0x94: {  	s6 =	sld [smem:$0x3FFB];
	_ =	sdelay $0x3  }
0x95: {  	_ =	strace s6  }
0x96: {  	s6 =	sld [smem:$0x3FFC];
	_ =	sdelay $0x3  }
0x97: {  	_ =	strace s6  }
0x98: {  	s6 =	sld [smem:$0x3FFD];
	_ =	sdelay $0x3  }
0x99: {  	_ =	strace s6  }
0x9a: {  	_ =	strace $0x8FFFFFFF  }
0x9b: {  	s19 =	sld [smem:$0x3FDB];
	_ =	sdelay $0x1  }
0x9c: {  	s7 =	simm.s32 $_scs_section_size  }
0x9d: {  	s8 =	simm.s32 $_size__tile_overlayer_lowered;
	s9 =	simm.s32 $_tile_overlayer_lowered  }
0x9e: {  	s22 =	simm.s32 $0x1BFF;
	s21 =	sshll.u32 s9, $0x1;
	s6 =	sadd.s32 s7, s19  }
0x9f: {  	s10 =	simm.s32 $0x0;
	s20 =	sshll.u32 s8, $0x1;
	s8 =	sadd.s32 s21, s6  }
0xa0: {  	[timem:s10], [sflag:s22] =	dma.local [hbm:s8], s20  }
0xa1: {  	_ =	swait.ge [sflag:s22], s20  }
0xa2: {  	s7 =	ssub.s32 $0x0, s20;
	[sflag:s22] =	ssyncset.done $0x0  }
0xa3: {  	[sflag:s22] =	ssyncadd.s32 s7;
	_ =	sdelay $0x1  }
0xa4: {  	s23 =	simm.s32 $0x1B8B  }
0xa5: {  	_ =	swait.ge [sflag:s23], $0x1  }
0xa6: {  	[sflag:s23] =	ssyncset.done $0x0  }
0xa7: {  	s25 =	simm.s32 $0x1B8E;
	s24 =	sld [smem:$0x3FFE];
	[sflag:s23] =	ssyncadd.s32 $0xFFFFFFFF  }
0xa8: {  	s26 =	simm.s32 $execute0_lowered;
	[smem:$0x3FD2] =	sst s25  }
0xa9: {  	s8 =	sshll.u32 s26, $0x1;
	_ =	strace $0x80000049;
	[dreg:$0x1] =	wrdreg $0xFFFFFFFF  }
0xaa: {  	s28 =	simm.s32 $_size_execute0_lowered;
	s6 =	sadd.s32 s6, s8;
	[dreg:$0x0] =	wrdreg $0x0  }
0xab: {  	s8 =	sshll.u32 s28, $0x1;
	[dreg:$0x2] =	wrdreg s6  }
0xac: {  	[dreg:$0x3] =	wrdreg s8  }
0xad: {  	[dreg:$0x4] =	wrdreg $0xC0  }
0xae: {  	_ =	task [dreg:s10], $0x5FFFF  }
0xaf: {  	[dreg:$0x1] =	wrdreg $0xFFFFFFFF  }
0xb0: {  	[dreg:$0x0] =	wrdreg $0x60  }
0xb1: {  	[dreg:$0x2] =	wrdreg s2  }
0xb2: {  	[dreg:$0x3] =	wrdreg s18  }
0xb3: {  	[dreg:$0x4] =	wrdreg s5  }
0xb4: {  	[dreg:$0x5] =	wrdreg s4  }
0xb5: {  	[dreg:$0x6] =	wrdreg s24  }
0xb6: {  	[dreg:$0x7] =	wrdreg $0x9  }
0xb7: {  	_ =	task.clear_ibuf [dreg:s10], $0x8FFFF;
	_ =	strace $0x90000049  }
0xb8: {  	s29 =	simm.s32 $0x9;
	_ =	strace $0x8000004B  }
0xb9: {  	_ =	swait.ge [sflag:s29], $0x1  }
0xba: {  	[sflag:s29] =	ssyncadd.s32 $0xFFFFFFFF  }
0xbb: {  	_ =	strace $0x9000004B  }
0xbc: {  	_ =	sfence  }
0xbd: {  	s30 =	sld [smem:$0x0];
	_ =	sdelay $0x2  }
0xbe: {  	s31 =	sshll.u32 s1, $0xD;
	s1 =	sshrl.u32 s1, $0x2  }
0xbf: {  	s3 =	sand.u32 $0x4000, s31;
	s1 =	sadd.s32 s1, s30  }
0xc0: {  	s0 =	sor.u32 s3, s0;
	s1 =	sshll.u32 s1, $0x11  }
0xc1: {  	s0 =	sor.u32 s1, s0  }
0xc2: {  	s0 =	sadd.s32 $0x8F2B, s0  }
0xc3: {  	[sflag:s0] =	ssyncadd.remote.s32 $0x1  }
0xc4: {  	_ =	sfence.sel $0xFFFF  }
0xc5: {  	[dreg:$0x0] =	wrdreg $0xFFFFFFFF;
	(pc) =	sbr.abs _section_cstart, $3  }
0xc6: {  	[dreg:$0x1] =	wrdreg $0xFFFFFFFF  }
0xc7: {  	_ =	task.clear_ibuf [dreg:s10], $0x2FFFF;
	_ =	strace $0x9FFFFFFF  }
0xc8: {  	(tm) =	ssettm $0x7FFFFFFF  }
0xc9: {  	_ =	shalt  }
tec
execute0_lowered:
.L_overlay_start_1:
0x0: {  	(tag) =	ssettag $0x1  }
0x1: {  	s1 =	rddreg [dreg:$0x0]  }
0x2: {  	s0 =	rddreg [dreg:$0x1]  }
0x3: {  	s3 =	rddreg [dreg:$0x2]  }
0x4: {  	s2 =	rddreg [dreg:$0x3]  }
0x5: {  	s6 =	rddreg [dreg:$0x4];
	s4 =	simm.s32 $0x0  }
0x6: {  	s5 =	srdreg.scid;
	s7 =	stileid.u32;
	s13 =	simm.s32 $0x3  }
0x7: {  	s14 =	simm.s32 $0x280;
	s15 =	simm.s32 $0x500;
	s16 =	simm.s32 $0x64  }
0x8: {  	s17 =	simm.s32 $0x600;
	s18 =	simm.s32 $0x80;
	s19 =	simm.s32 $0x400  }
0x9: {  	s20 =	simm.s32 $0x6E00;
	s21 =	simm.s32 $0x7E00;
	s22 =	simm.s32 $0x580  }
0xa: {  	s23 =	simm.s32 $0x3A00;
	s28 =	simm.s32 $0x7F00;
	s29 =	simm.s32 $0x8600  }
0xb: {  	[smem:$0x7FF] =	sst s4;
	s5 =	sand.u32 $0x1, s5;
	s7 =	sshll.u32 s7, $0x1  }
0xc: {  	s30 =	simm.s32 $0x2;
	_ =	strace $0x8000004A;
	s7 =	sor.u32 s5, s7  }
0xd: {  	s8 =	ssub.s32 $0x2, s5;
	s5 =	sadd.s32 $0x1000, s6;
	s9 =	sshll.u32 s7, $0x9  }
0xe: {  	s10 =	sshrl.u32 s8, $0x1;
	s11 =	smul.u32 $0x50, s7;
	s25 =	sshll.u32 s7, $0xD  }
0xf: {  	s6 =	sadd.s32 s9, s6;
	s10 =	ssub.s32 s8, s10;
	s26 =	sadd.s32 s1, s9  }
0x10: {  	v0 =	vimm.s32 $0x13121110;
	s8 =	sshll.u32 s7, $0x5;
	s0 =	sadd.s32 s0, s11;
	[dreg:$0x9] =	wrdreg s26  }
0x11: {  	v1 =	vunpack.c.0.s8.s32 v0;
	v0 =	vimm.s32 $0x3020100;
	s24 =	sadd.s32 s3, s11;
	s31 =	sadd.s32 $0x41000, s6;
	[dreg:$0x6] =	wrdreg s0  }
0x12: {  	vm0 =	vcmask $0xF00;
	v2 =	vunpack.c.0.s8.s32 v0;
	s12 =	smax.u32 s10, $0x1;
	s26 =	simm.s32 $0x1;
	[dreg:$0x7] =	wrdreg s24  }
0x13: {  	v0 =	vlaneseq.u32;
	v1 =	vnsel vm0, $0x13, v1;
	s0 =	sadd.s32 s5, s25;
	[dreg:$0xa] =	wrdreg s31;
	s24 =	simm.s32 $0x7600  }
0x14: {  	v3 =	vor.u32 $0x50, v0;
	v4 =	vor.u32 $0x60, v0;
	v2 =	vnsel vm0, $0x3, v2;
	s25 =	simm.s32 $0x7E80;
	[dreg:$0x8] =	wrdreg s0;
	s0 =	simm.s32 $0x0  }
.LBB2_1:
0x15: {  	s3 =	rddreg [dreg:$0x6]  }
0x16: {  	[tilespmem:s4], [sflag:$0x3] =	stream.linear.gather [hbm4b:s3+s4], $0x280, $0x38;
	[tilespmem:$0x9680] =	vst v63  }
0x17: {  	_ =	swait.ge [sflag:s13], $0x280  }
0x18: {  	[sflag:s13] =	ssyncset.done $0x0  }
0x19: {  	s11 =	rddreg [dreg:$0x7];
	[sflag:s13] =	ssyncadd.s32 $0xFFFFFD80  }
0x1a: {  	[tilespmem:s14], [sflag:$0x3] =	stream.linear.gather [hbm4b:s11+s4], $0x280, $0x38;
	[tilespmem:$0x9680] =	vst v63  }
0x1b: {  	_ =	swait.ge [sflag:s13], $0x280  }
0x1c: {  	[sflag:s13] =	ssyncset.done $0x0  }
0x1d: {  	[sflag:s13] =	ssyncadd.s32 $0xFFFFFD80  }
0x1e: {  	v5 =	vld.idx.msk [tilespmem:v0+s4+$0x0], $0xffff  }
0x1f: {  	v6 =	vld.idx.msk [tilespmem:v1+s4+$0x0], $0xffff  }
0x20: {  	s31 =	simm.s32 $0x0  }
0x21: {  	s6 =	simm.s32 $0x10;
	v8 =	vadd.s32 s31, v0  }
0x22: {  	v7 =	vadd.s32 s6, v0  }
0x23: {  	v5 =	vadd.s32 $0x186A0, v5  }
0x24: {  	v6 =	vadd.s32 $0x186A0, v6;
	v5 =	vshrl.u32 v5, $0x1  }
0x25: {  	s3 =	simm.s32 $0x24;
	v6 =	vshrl.u32 v6, $0x1;
	v9 =	vadd.s32 $0xFFFFFFFF, v5  }
.LBB2_2:
0x26: {  	s6 =	sadd.s32 $0xFFFFFFF0, s3;
	[tilespmem:v8+s15+$0x0] =	vst.idx.msk $0xffff, v9;
	v9 =	vadd.s32 $0xFFFFFFFF, v6;
	s7 =	smov.u32 s3;
	p0 =	sne.s32 s3, $0x60  }
.Ltmp0:
0x27: {  	s3 =	sadd.s32 $0x14, s3;
	v8 =	vadd.s32 s6, v0;
	[tilespmem:v7+s15+$0x0] =	vst.idx.msk $0xf, v9;
	(pc) =	sbr.rel @p0 .LBB2_2-.Ltmp0, $3  }
0x28: {  	v7 =	vadd.s32 s7, v0;
	_ =	sdelay $0x1  }
0x29: {  	v5 =	vshrl.u32 v5, $0x1  }
0x2a: {  	v6 =	vshrl.u32 v6, $0x1;
	v9 =	vadd.s32 $0xFFFFFFFF, v5  }
0x2b: {  	_ =	sdelay $0x3  }
0x2c: {  	[tilespmem:v8+s15+$0x0] =	vst.idx.msk $0xffff, v9;
	v5 =	vadd.s32 $0xFFFFFFFF, v6  }
0x2d: {  	[tilespmem:v7+s15+$0x0] =	vst.idx.msk $0xf, v5  }
0x2e: {  	[tilespmem:s17], [sflag:$0x1] =	stream.indirect.gather [hbm4b:s2+s16], $0x80, s15, s16, $0xb8;
	[tilespmem:$0x9680] =	vst v63  }
0x2f: {  	s3 =	rddreg [dreg:$0x8]  }
0x30: {  	[tilespmem:s20], [sflag:$0x1] =	stream.strided.gather [hbm4b:s3+s18], $0x800, s19, s18, $0x38;
	[tilespmem:$0x9680] =	vst v63  }
0x31: {  	s6 =	rddreg [dreg:$0x9];
	s3 =	simm.s32 $0x0  }
0x32: {  	[tilespmem:s21], [sflag:$0x1] =	stream.linear.gather [hbm4b:s6+s3], $0x80, $0x38;
	[tilespmem:$0x9680] =	vst v63  }
.LBB2_4:
0x33: {  	s7 =	sshllo.u32 s3, $0x1  }
0x34: {  	s6 =	smul.u32 $0x14, s7;
	_ =	sdelay $0x1  }
0x35: {  	v5 =	vadd.s32 s6, v0;
	s6 =	sadd.s32 $0x10, s6  }
0x36: {  	v6 =	vor.u32 s6, v2;
	_ =	sdelay $0x4  }
0x37: {  	v8 =	vld.idx.msk [tilespmem:v6+s4+$0x0], $0xffff;
	_ =	sdelay $0x1  }
0x38: {  	v7 =	vld.idx.msk [tilespmem:v5+s4+$0x0], $0xffff;
	_ =	sdelay $0x1  }
0x39: {  	s31 =	simm.s32 $0x0  }
0x3a: {  	s10 =	simm.s32 $0x10;
	v9 =	vadd.s32 $0x186A0, v8;
	v8 =	vadd.s32 s31, v0  }
0x3b: {  	v10 =	vadd.s32 s10, v0  }
0x3c: {  	v7 =	vadd.s32 $0x186A0, v7  }
0x3d: {  	v7 =	vshrl.u32 v7, $0x1  }
0x3e: {  	s9 =	simm.s32 $0x24;
	s6 =	sshll.u32 s3, $0x1;
	v9 =	vshrl.u32 v9, $0x1;
	v11 =	vadd.s32 $0xFFFFFFFF, v7  }
.LBB2_5:
0x3f: {  	s10 =	sadd.s32 $0xFFFFFFF0, s9;
	[tilespmem:v8+s22+$0x0] =	vst.idx.msk $0xffff, v11;
	v11 =	vadd.s32 $0xFFFFFFFF, v9;
	s11 =	smov.u32 s9;
	p0 =	sne.s32 s9, $0x60  }
.Ltmp1:
0x40: {  	s9 =	sadd.s32 $0x14, s9;
	v8 =	vadd.s32 s10, v0;
	[tilespmem:v10+s22+$0x0] =	vst.idx.msk $0xf, v11;
	(pc) =	sbr.rel @p0 .LBB2_5-.Ltmp1, $3  }
0x41: {  	v10 =	vadd.s32 s11, v0;
	_ =	sdelay $0x1  }
0x42: {  	v7 =	vshrl.u32 v7, $0x1  }
0x43: {  	v9 =	vshrl.u32 v9, $0x1;
	v11 =	vadd.s32 $0xFFFFFFFF, v7  }
0x44: {  	_ =	sdelay $0x3  }
0x45: {  	[tilespmem:v8+s22+$0x0] =	vst.idx.msk $0xffff, v11;
	v7 =	vadd.s32 $0xFFFFFFFF, v9;
	s9 =	sor.u32 s8, s6  }
0x46: {  	s31 =	sshll.u32 s7, $0x7;
	[tilespmem:v10+s22+$0x0] =	vst.idx.msk $0xf, v7;
	s9 =	sshrl.u32 s9, $0x3  }
0x47: {  	[tilespmem:s23], [sflag:$0x2] =	stream.indirect.gather [hbm4b:s2+s16], $0x80, s22, s16, $0xb8;
	[tilespmem:$0x9680] =	vst v63  }
0x48: {  	s10 =	sand.u32 $0x380, s31;
	s11 =	sshll.u32 s9, $0xE  }
0x49: {  	s7 =	sor.u32 s10, s11  }
0x4a: {  	s7 =	sshrl.u32 s7, $0x3  }
0x4b: {  	s9 =	sshll.u32 s9, $0xA;
	s7 =	sadd.s32 s5, s7  }
0x4c: {  	[tilespmem:s24], [sflag:$0x2] =	stream.strided.gather [hbm4b:s7+s18], $0x800, s19, s18, $0x38;
	[tilespmem:$0x9680] =	vst v63  }
0x4d: {  	s7 =	sor.u32 s10, s9  }
0x4e: {  	s7 =	sshrl.u32 s7, $0x3  }
0x4f: {  	s11 =	sadd.s32 s1, s7;
	s7 =	simm.s32 $0x0  }
0x50: {  	[tilespmem:s25], [sflag:$0x2] =	stream.linear.gather [hbm4b:s11+s7], $0x80, $0x38;
	[tilespmem:$0x9680] =	vst v63  }
0x51: {  	_ =	swait.ge [sflag:s26], $0x3200  }
0x52: {  	[sflag:s26] =	ssyncset.done $0x0  }
0x53: {  	[sflag:s26] =	ssyncadd.s32 $0xFFFFCE00  }
0x54: {  	_ =	swait.ge [sflag:s26], $0x800  }
0x55: {  	[sflag:s26] =	ssyncset.done $0x0  }
0x56: {  	[sflag:s26] =	ssyncadd.s32 $0xFFFFF800  }
0x57: {  	_ =	swait.ge [sflag:s26], $0x80  }
0x58: {  	[sflag:s26] =	ssyncset.done $0x0  }
0x59: {  	[sflag:s26] =	ssyncadd.s32 $0xFFFFFF80  }
0x5a: {  	v13 =	vld [tilespmem:$0x7E00]  }
0x5b: {  	v14 =	vld [tilespmem:$0x7E10]  }
0x5c: {  	v12 =	vld [tilespmem:$0x7E20]  }
0x5d: {  	v11 =	vld [tilespmem:$0x7E30]  }
0x5e: {  	v10 =	vld [tilespmem:$0x7E40]  }
0x5f: {  	v9 =	vld [tilespmem:$0x7E50]  }
0x60: {  	v7 =	vld [tilespmem:$0x7E60]  }
0x61: {  	s10 =	simm.s32 $0x640;
	v8 =	vld [tilespmem:$0x7E70]  }
0x62: {  	v15 =	vld [tilespmem:s10+$0xFFFFFFC0]  }
0x63: {  	s9 =	simm.s32 $0x0;
	s11 =	simm.s32 $0x10;
	v16 =	vld [tilespmem:s10+$0xFFFFFFD0]  }
.LBB2_7:
0x64: {  	p0 =	sne.s32 s11, $0x630  }
0x65: {  	v17 =	vld [tilespmem:s10+$0xFFFFFFE0];
	_ =	sdelay $0x1  }
0x66: {  	v18 =	vld [tilespmem:s10+$0xFFFFFFF0]  }
0x67: {  	v15 =	vmul.f32 v15, v13;
	v16 =	vmul.f32 v16, v14  }
0x68: {  	v19 =	vld [tilespmem:s10+$0x0]  }
0x69: {  	v15 =	vadd.f32 v16, v15;
	v16 =	vmul.f32 v17, v12  }
0x6a: {  	v17 =	vld [tilespmem:s10+$0x10]  }
0x6b: {  	v15 =	vadd.f32 v16, v15;
	v16 =	vmul.f32 v18, v11  }
0x6c: {  	v18 =	vld [tilespmem:s10+$0x20]  }
0x6d: {  	v15 =	vadd.f32 v16, v15;
	v16 =	vmul.f32 v19, v10  }
0x6e: {  	v19 =	vld [tilespmem:s10+$0x30]  }
0x6f: {  	v15 =	vadd.f32 v16, v15;
	v16 =	vmul.f32 v17, v9;
	_ =	sdelay $0x1  }
0x70: {  	v15 =	vadd.f32 v16, v15;
	v16 =	vmul.f32 v18, v7  }
0x71: {  	v17 =	vor.u32 s9, v0;
	s9 =	smov.u32 s11  }
0x72: {  	v15 =	vadd.f32 v16, v15;
	v16 =	vmul.f32 v19, v8;
	_ =	sdelay $0x1  }
.Ltmp2:
0x73: {  	v15 =	vadd.f32 v16, v15;
	(pc) =	sbr.rel @p0 .LBB2_7-.Ltmp2, $4  }
0x74: {  	_ = 	snop  }
0x75: {  	s10 =	sadd.s32 $0x80, s10;
	[tilespmem:v17+s28+$0x0] =	vst.idx.msk $0xffff, v15  }
0x76: {  	v15 =	vld [tilespmem:s10+$0xFFFFFFC0]  }
0x77: {  	s11 =	sadd.s32 $0x10, s11;
	v16 =	vld [tilespmem:s10+$0xFFFFFFD0]  }
0x78: {  	_ = 	snop  }
0x79: {  	v17 =	vld [tilespmem:s10+$0xFFFFFFE0];
	_ =	sdelay $0x1  }
0x7a: {  	v18 =	vld [tilespmem:s10+$0xFFFFFFF0]  }
0x7b: {  	v13 =	vmul.f32 v15, v13;
	v14 =	vmul.f32 v16, v14  }
0x7c: {  	v15 =	vld [tilespmem:s10+$0x0]  }
0x7d: {  	v12 =	vmul.f32 v17, v12;
	v13 =	vadd.f32 v14, v13  }
0x7e: {  	v14 =	vld [tilespmem:s10+$0x10]  }
0x7f: {  	v11 =	vmul.f32 v18, v11;
	v12 =	vadd.f32 v12, v13  }
0x80: {  	v13 =	vld [tilespmem:s10+$0x20]  }
0x81: {  	v10 =	vmul.f32 v15, v10;
	v11 =	vadd.f32 v11, v12  }
0x82: {  	v12 =	vld [tilespmem:s10+$0x30]  }
0x83: {  	v9 =	vmul.f32 v14, v9;
	v10 =	vadd.f32 v10, v11;
	_ =	sdelay $0x1  }
0x84: {  	v9 =	vadd.f32 v9, v10;
	v10 =	vmul.f32 v13, v7;
	v7 =	vor.u32 s7, v0  }
0x85: {  	v11 =	vor.u32 s9, v0;
	v13 =	vshll.u32 v7, $0x4  }
0x86: {  	v8 =	vmul.f32 v12, v8;
	v9 =	vadd.f32 v10, v9;
	v10 =	vor.u32 $0x1, v13;
	_ =	sdelay $0x1  }
0x87: {  	v8 =	vadd.f32 v8, v9  }
0x88: {  	v9 =	vor.u32 $0x2, v13  }
0x89: {  	[tilespmem:v11+s28+$0x0] =	vst.idx.msk $0xffff, v8  }
0x8a: {  	v8 =	vld.idx.msk [tilespmem:v10+s28+$0x0], $0xffff;
	v10 =	vor.u32 $0x3, v13  }
0x8b: {  	v11 =	vld.idx.msk [tilespmem:v13+s28+$0x0], $0xffff  }
0x8c: {  	v12 =	vor.u32 $0x4, v13  }
0x8d: {  	v9 =	vld.idx.msk [tilespmem:v9+s28+$0x0], $0xffff  }
0x8e: {  	v14 =	vor.u32 $0x5, v13  }
0x8f: {  	v10 =	vld.idx.msk [tilespmem:v10+s28+$0x0], $0xffff  }
0x90: {  	v15 =	vor.u32 $0x6, v13;
	v8 =	vadd.f32 v8, v11  }
0x91: {  	v11 =	vld.idx.msk [tilespmem:v12+s28+$0x0], $0xffff  }
0x92: {  	v12 =	vor.u32 $0x7, v13;
	v8 =	vadd.f32 v9, v8  }
0x93: {  	v9 =	vld.idx.msk [tilespmem:v14+s28+$0x0], $0xffff  }
0x94: {  	v14 =	vor.u32 $0x8, v13;
	v8 =	vadd.f32 v10, v8  }
0x95: {  	v10 =	vld.idx.msk [tilespmem:v15+s28+$0x0], $0xffff  }
0x96: {  	v15 =	vor.u32 $0x9, v13;
	v8 =	vadd.f32 v11, v8  }
0x97: {  	v11 =	vld.idx.msk [tilespmem:v12+s28+$0x0], $0xffff  }
0x98: {  	v12 =	vor.u32 $0xA, v13;
	v8 =	vadd.f32 v9, v8  }
0x99: {  	v9 =	vld.idx.msk [tilespmem:v14+s28+$0x0], $0xffff  }
0x9a: {  	v14 =	vor.u32 $0xB, v13;
	v8 =	vadd.f32 v10, v8  }
0x9b: {  	v10 =	vld.idx.msk [tilespmem:v15+s28+$0x0], $0xffff  }
0x9c: {  	v15 =	vor.u32 $0xC, v13;
	v8 =	vadd.f32 v11, v8  }
0x9d: {  	v11 =	vld.idx.msk [tilespmem:v12+s28+$0x0], $0xffff  }
0x9e: {  	v8 =	vadd.f32 v9, v8  }
0x9f: {  	v12 =	vor.u32 $0xD, v13;
	v9 =	vld.idx.msk [tilespmem:v14+s28+$0x0], $0xffff  }
0xa0: {  	v8 =	vadd.f32 v10, v8  }
0xa1: {  	v14 =	vor.u32 $0xE, v13;
	v10 =	vld.idx.msk [tilespmem:v15+s28+$0x0], $0xffff  }
0xa2: {  	v8 =	vadd.f32 v11, v8  }
0xa3: {  	v11 =	vor.u32 $0xF, v13  }
0xa4: {  	v12 =	vld.idx.msk [tilespmem:v12+s28+$0x0], $0xffff;
	v8 =	vadd.f32 v9, v8;
	_ =	sdelay $0x1  }
0xa5: {  	v8 =	vadd.f32 v10, v8;
	v10 =	vld.idx.msk [tilespmem:v14+s28+$0x0], $0xffff;
	_ =	sdelay $0x1  }
0xa6: {  	s11 =	simm.s32 $0x10;
	v11 =	vld.idx.msk [tilespmem:v11+s28+$0x0], $0xffff  }
0xa7: {  	v9 =	vor.u32 s11, v0;
	v12 =	vadd.f32 v12, v8  }
0xa8: {  	s7 =	simm.s32 $0x20;
	v8 =	vshll.u32 v9, $0x4  }
.LBB2_9:
0xa9: {  	p0 =	sne.s32 s7, $0x60;
	v13 =	vor.u32 $0x1, v8;
	v10 =	vadd.f32 v10, v12;
	_ =	sdelay $0x1  }
0xaa: {  	v10 =	vadd.f32 v11, v10  }
0xab: {  	v11 =	vor.u32 $0x2, v8  }
0xac: {  	[tilespmem:v7+s29+$0x0] =	vst.idx.msk $0xffff, v10;
	v7 =	vmov v9  }
0xad: {  	v10 =	vor.u32 $0x3, v8;
	v9 =	vld.idx.msk [tilespmem:v13+s28+$0x0], $0xffff  }
0xae: {  	v12 =	vld.idx.msk [tilespmem:v8+s28+$0x0], $0xffff  }
0xaf: {  	v13 =	vor.u32 $0x4, v8  }
0xb0: {  	v11 =	vld.idx.msk [tilespmem:v11+s28+$0x0], $0xffff  }
0xb1: {  	v14 =	vor.u32 $0x5, v8  }
0xb2: {  	v10 =	vld.idx.msk [tilespmem:v10+s28+$0x0], $0xffff  }
0xb3: {  	v15 =	vor.u32 $0x6, v8  }
0xb4: {  	v9 =	vadd.f32 v9, v12;
	v12 =	vld.idx.msk [tilespmem:v13+s28+$0x0], $0xffff  }
0xb5: {  	v13 =	vor.u32 $0x7, v8  }
0xb6: {  	v9 =	vadd.f32 v11, v9;
	v11 =	vld.idx.msk [tilespmem:v14+s28+$0x0], $0xffff  }
0xb7: {  	v14 =	vor.u32 $0x8, v8  }
0xb8: {  	v9 =	vadd.f32 v10, v9;
	v10 =	vld.idx.msk [tilespmem:v15+s28+$0x0], $0xffff  }
0xb9: {  	v15 =	vor.u32 $0x9, v8  }
0xba: {  	v9 =	vadd.f32 v12, v9;
	v12 =	vld.idx.msk [tilespmem:v13+s28+$0x0], $0xffff  }
0xbb: {  	v13 =	vor.u32 $0xA, v8  }
0xbc: {  	v9 =	vadd.f32 v11, v9;
	v11 =	vld.idx.msk [tilespmem:v14+s28+$0x0], $0xffff  }
0xbd: {  	v14 =	vor.u32 $0xB, v8  }
0xbe: {  	v9 =	vadd.f32 v10, v9;
	v10 =	vld.idx.msk [tilespmem:v15+s28+$0x0], $0xffff  }
0xbf: {  	v15 =	vor.u32 $0xC, v8  }
0xc0: {  	v9 =	vadd.f32 v12, v9;
	v12 =	vld.idx.msk [tilespmem:v13+s28+$0x0], $0xffff  }
0xc1: {  	v13 =	vor.u32 $0xD, v8  }
0xc2: {  	v9 =	vadd.f32 v11, v9;
	v11 =	vld.idx.msk [tilespmem:v14+s28+$0x0], $0xffff  }
0xc3: {  	v14 =	vor.u32 $0xE, v8  }
0xc4: {  	v9 =	vadd.f32 v10, v9;
	v15 =	vld.idx.msk [tilespmem:v15+s28+$0x0], $0xffff  }
0xc5: {  	v8 =	vor.u32 $0xF, v8  }
0xc6: {  	v9 =	vadd.f32 v12, v9;
	v12 =	vld.idx.msk [tilespmem:v13+s28+$0x0], $0xffff;
	_ =	sdelay $0x1  }
0xc7: {  	v9 =	vadd.f32 v11, v9;
	v10 =	vld.idx.msk [tilespmem:v14+s28+$0x0], $0xffff  }
.Ltmp3:
0xc8: {  	(pc) =	sbr.rel @p0 .LBB2_9-.Ltmp3, $3  }
0xc9: {  	v13 =	vadd.f32 v15, v9;
	v11 =	vld.idx.msk [tilespmem:v8+s28+$0x0], $0xffff;
	_ =	sdelay $0x1  }
0xca: {  	v9 =	vor.u32 s7, v0;
	v12 =	vadd.f32 v12, v13  }
0xcb: {  	s7 =	sadd.s32 $0x10, s7;
	v8 =	vshll.u32 v9, $0x4  }
0xcc: {  	v13 =	vor.u32 $0x1, v8;
	v10 =	vadd.f32 v10, v12;
	_ =	sdelay $0x1  }
0xcd: {  	v10 =	vadd.f32 v11, v10  }
0xce: {  	v11 =	vor.u32 $0x2, v8  }
0xcf: {  	[tilespmem:v7+s29+$0x0] =	vst.idx.msk $0xffff, v10  }
0xd0: {  	v10 =	vor.u32 $0x3, v8;
	v7 =	vld.idx.msk [tilespmem:v13+s28+$0x0], $0xffff  }
0xd1: {  	v48 =	vld.idx.msk [tilespmem:v8+s28+$0x0], $0xffff  }
0xd2: {  	v49 =	vor.u32 $0x4, v8  }
0xd3: {  	v11 =	vld.idx.msk [tilespmem:v11+s28+$0x0], $0xffff  }
0xd4: {  	v14 =	vor.u32 $0x5, v8  }
0xd5: {  	v10 =	vld.idx.msk [tilespmem:v10+s28+$0x0], $0xffff  }
0xd6: {  	v15 =	vor.u32 $0x6, v8;
	v7 =	vadd.f32 v7, v48  }
0xd7: {  	v50 =	vld.idx.msk [tilespmem:v49+s28+$0x0], $0xffff  }
0xd8: {  	v51 =	vor.u32 $0x7, v8;
	v7 =	vadd.f32 v11, v7  }
0xd9: {  	v11 =	vld.idx.msk [tilespmem:v14+s28+$0x0], $0xffff  }
0xda: {  	v52 =	vor.u32 $0x8, v8;
	v7 =	vadd.f32 v10, v7  }
0xdb: {  	v10 =	vld.idx.msk [tilespmem:v15+s28+$0x0], $0xffff  }
0xdc: {  	v53 =	vor.u32 $0x9, v8;
	v7 =	vadd.f32 v50, v7  }
0xdd: {  	v54 =	vld.idx.msk [tilespmem:v51+s28+$0x0], $0xffff  }
0xde: {  	v55 =	vor.u32 $0xA, v8;
	v7 =	vadd.f32 v11, v7  }
0xdf: {  	v11 =	vld.idx.msk [tilespmem:v52+s28+$0x0], $0xffff  }
0xe0: {  	v56 =	vor.u32 $0xB, v8;
	v7 =	vadd.f32 v10, v7  }
0xe1: {  	v10 =	vld.idx.msk [tilespmem:v53+s28+$0x0], $0xffff  }
0xe2: {  	v57 =	vor.u32 $0xC, v8;
	v7 =	vadd.f32 v54, v7  }
0xe3: {  	v58 =	vld.idx.msk [tilespmem:v55+s28+$0x0], $0xffff  }
0xe4: {  	v59 =	vor.u32 $0xD, v8;
	v7 =	vadd.f32 v11, v7  }
0xe5: {  	v11 =	vld.idx.msk [tilespmem:v56+s28+$0x0], $0xffff  }
0xe6: {  	v60 =	vor.u32 $0xE, v8;
	v7 =	vadd.f32 v10, v7  }
0xe7: {  	v10 =	vld.idx.msk [tilespmem:v57+s28+$0x0], $0xffff  }
0xe8: {  	v8 =	vor.u32 $0xF, v8;
	v7 =	vadd.f32 v58, v7  }
0xe9: {  	v61 =	vld.idx.msk [tilespmem:v59+s28+$0x0], $0xffff  }
0xea: {  	v7 =	vadd.f32 v11, v7  }
0xeb: {  	v11 =	vld.idx.msk [tilespmem:v60+s28+$0x0], $0xffff  }
0xec: {  	v7 =	vadd.f32 v10, v7  }
0xed: {  	v8 =	vld.idx.msk [tilespmem:v8+s28+$0x0], $0xffff  }
0xee: {  	v7 =	vadd.f32 v61, v7  }
0xef: {  	s9 =	simm.s32 $0x10  }
0xf0: {  	s10 =	simm.s32 $0x0;
	v10 =	vadd.f32 v11, v7;
	v11 =	vadd.s32 s9, v0  }
0xf1: {  	v62 =	vadd.s32 s10, v0  }
0xf2: {  	s7 =	smul.u32 $0x28, s3;
	v10 =	vadd.f32 v8, v10;
	_ =	sdelay $0x1  }
0xf3: {  	v7 =	vadd.s32 s7, v0;
	s7 =	sadd.s32 $0x10, s7;
	[tilespmem:v9+s29+$0x0] =	vst.idx.msk $0xffff, v10  }
0xf4: {  	v8 =	vor.u32 s7, v2;
	v10 =	vld.idx.msk [tilespmem:v11+s29+$0x0], $0xffff  }
0xf5: {  	v11 =	vld.idx.msk [tilespmem:v62+s29+$0x0], $0xffff;
	_ =	sdelay $0x2  }
0xf6: {  	v9 =	vld.idx.msk [tilespmem:v7+s14+$0x0], $0xffff  }
0xf7: {  	v63 =	vld.idx.msk [tilespmem:v8+s14+$0x0], $0xffff;
	v10 =	vsub.f32 $0.0e+00, v10  }
0xf8: {  	v11 =	vsub.f32 $0.0e+00, v11  }
0xf9: {  	v10 =	vmul.f32 $1.442695020e+00, v10  }
0xfa: {  	v11 =	vmul.f32 $1.442695020e+00, v11  }
0xfb: {  	(erf) = vpow2.f32 v10  }
0xfc: {  	(erf) = vpow2.f32 v11;
	_ =	sdelay $0x1  }
0xfd: {  	s11 =	simm.s32 $0x24;
	v9 =	vld.idx.msk [tilespmem:v9+s20+$0x0], $0xffff  }
0xfe: {  	s9 =	simm.s32 $0x14;
	s7 =	simm.s32 $0x38;
	v10 =	vld.idx.msk [tilespmem:v63+s20+$0x0], $0xffff;
	v11 =	vadd.s32 s11, v0  }
.LBB2_11:
0xff: {  	p0 =	sne.s32 s7, $0x4C;
	v12 =	vadd.s32 s9, v0;
	_ =	sdelay $0x3  }
0x100: {  	v11 =	vld.idx.msk [tilespmem:v11+s29+$0x0], $0xffff;
	v13 =	vpop (erf)  }
0x101: {  	v12 =	vld.idx.msk [tilespmem:v12+s29+$0x0], $0xffff;
	v13 =	vadd.f32 $1.000000000e+00, v13;
	v14 =	vpop (erf)  }
0x102: {  	v14 =	vadd.f32 $1.000000000e+00, v14  }
0x103: {  	(erf) = vrcp.f32 v13  }
0x104: {  	(erf) = vrcp.f32 v14;
	_ =	sdelay $0x1  }
0x105: {  	v11 =	vsub.f32 $0.0e+00, v11  }
0x106: {  	v12 =	vsub.f32 $0.0e+00, v12  }
0x107: {  	v11 =	vmul.f32 $1.442695020e+00, v11  }
0x108: {  	v13 =	vmul.f32 $1.442695020e+00, v12  }
.Ltmp4:
0x109: {  	(erf) = vpow2.f32 v11;
	(pc) =	sbr.rel @p0 .LBB2_11-.Ltmp4, $4  }
0x10a: {  	(erf) = vpow2.f32 v13  }
0x10b: {  	v12 =	vpop (erf)  }
0x10c: {  	v13 =	vpop (erf)  }
0x10d: {  	s9 =	sadd.s32 $0xFFFFFFF0, s7;
	v11 =	vadd.s32 s7, v0;
	s7 =	sadd.s32 $0x14, s7;
	v10 =	vmul.f32 v12, v10;
	v9 =	vmul.f32 v13, v9  }
0x10e: {  	v12 =	vadd.s32 s9, v0;
	_ =	sdelay $0x3  }
0x10f: {  	v11 =	vld.idx.msk [tilespmem:v11+s29+$0x0], $0xffff  }
0x110: {  	v12 =	vld.idx.msk [tilespmem:v12+s29+$0x0], $0xffff;
	_ =	sdelay $0x2  }
0x111: {  	v13 =	vpop (erf)  }
0x112: {  	v13 =	vadd.f32 $1.000000000e+00, v13;
	v14 =	vpop (erf);
	v11 =	vsub.f32 $0.0e+00, v11  }
0x113: {  	v14 =	vadd.f32 $1.000000000e+00, v14;
	v12 =	vsub.f32 $0.0e+00, v12  }
0x114: {  	(erf) = vrcp.f32 v13;
	v11 =	vmul.f32 $1.442695020e+00, v11  }
0x115: {  	(erf) = vrcp.f32 v14;
	v12 =	vmul.f32 $1.442695020e+00, v12  }
0x116: {  	(erf) = vpow2.f32 v11  }
0x117: {  	(erf) = vpow2.f32 v12;
	_ =	sdelay $0x3  }
0x118: {  	v56 =	vld.idx.msk [tilespmem:v3+s29+$0x0], $0xffff;
	_ =	sdelay $0x1  }
0x119: {  	v57 =	vpop (erf)  }
0x11a: {  	v58 =	vpop (erf)  }
0x11b: {  	v59 =	vpop (erf)  }
0x11c: {  	v11 =	vsub.f32 $0.0e+00, v56;
	v14 =	vadd.f32 $1.000000000e+00, v59;
	v15 =	vpop (erf)  }
0x11d: {  	v15 =	vadd.f32 $1.000000000e+00, v15  }
0x11e: {  	v11 =	vmul.f32 $1.442695020e+00, v11;
	(erf) = vrcp.f32 v14  }
0x11f: {  	(erf) = vrcp.f32 v15  }
0x120: {  	(erf) = vpow2.f32 v11;
	_ =	sdelay $0x3  }
0x121: {  	v60 =	vld.idx.msk [tilespmem:v4+s29+$0x0], $0xffff;
	_ =	sdelay $0x2  }
0x122: {  	v14 =	vpop (erf)  }
0x123: {  	v15 =	vpop (erf)  }
0x124: {  	v11 =	vsub.f32 $0.0e+00, v60;
	v16 =	vpop (erf)  }
0x125: {  	v16 =	vadd.f32 $1.000000000e+00, v16  }
0x126: {  	v11 =	vmul.f32 $1.442695020e+00, v11  }
0x127: {  	(erf) = vrcp.f32 v16  }
0x128: {  	(erf) = vpow2.f32 v11;
	_ =	sdelay $0x7  }
0x129: {  	v61 =	vpop (erf)  }
0x12a: {  	v62 =	vpop (erf)  }
0x12b: {  	v16 =	vadd.f32 $1.000000000e+00, v62;
	_ =	sdelay $0x1  }
0x12c: {  	v7 =	vld.idx.msk [tilespmem:v7+s4+$0x0], $0xffff;
	(erf) = vrcp.f32 v16  }
0x12d: {  	v8 =	vld.idx.msk [tilespmem:v8+s4+$0x0], $0xffff;
	_ =	sdelay $0x3  }
0x12e: {  	v7 =	vadd.s32 $0x186A0, v7  }
0x12f: {  	vm0 =	vgt.s32 v7, $0x1FFFF;
	v7 =	vadd.s32 $0x186A0, v8;
	v9 =	vmul.f32 v58, v9  }
0x130: {  	v10 =	vmul.f32 v57, v10  }
0x131: {  	p0 =	seq.s32 s3, $0xF;
	v9 =	vmul.f32 v15, v9  }
.Ltmp5:
0x132: {  	vm15 =	vgt.s32 v7, $0x1FFFF;
	v8 =	vmul.f32 v14, v10;
	v63 =	vnsel vm0, $0x3F800000, v61;
	v7 =	vpop (erf);
	(pc) =	sbr.rel @p0 .LBB2_16-.Ltmp5, $4  }
0x133: {  	s7 =	sshll.u32 s3, $0x8;
	v9 =	vmul.f32 v63, v9;
	v7 =	vnsel vm15, $0x3F800000, v7  }
0x134: {  	s7 =	sand.u32 $0x3FFFFF00, s7;
	v7 =	vmul.f32 v7, v8  }
0x135: {  	[tilespmem:s7+$0x8680] =	vst v9  }
0x136: {  	[tilespmem:s7+$0x8690] =	vst v7  }
0x137: {  	s6 =	sadd.s32 $0x2, s6  }
0x138: {  	s7 =	smul.u32 $0x14, s6;
	_ =	sdelay $0x1  }
0x139: {  	v7 =	vadd.s32 s7, v0;
	s7 =	sadd.s32 $0x10, s7  }
0x13a: {  	v8 =	vor.u32 s7, v2;
	_ =	sdelay $0x3  }
0x13b: {  	v7 =	vld.idx.msk [tilespmem:v7+s4+$0x0], $0xffff  }
0x13c: {  	v8 =	vld.idx.msk [tilespmem:v8+s4+$0x0], $0xffff  }
0x13d: {  	s11 =	simm.s32 $0x0  }
0x13e: {  	s9 =	simm.s32 $0x10;
	v10 =	vadd.s32 s11, v0  }
0x13f: {  	v9 =	vadd.s32 s9, v0  }
0x140: {  	v7 =	vadd.s32 $0x186A0, v7  }
0x141: {  	v8 =	vadd.s32 $0x186A0, v8;
	v7 =	vshrl.u32 v7, $0x1  }
0x142: {  	s7 =	simm.s32 $0x24;
	v8 =	vshrl.u32 v8, $0x1;
	v11 =	vadd.s32 $0xFFFFFFFF, v7  }
.LBB2_14:
0x143: {  	s9 =	sadd.s32 $0xFFFFFFF0, s7;
	[tilespmem:v10+s15+$0x0] =	vst.idx.msk $0xffff, v11;
	v11 =	vadd.s32 $0xFFFFFFFF, v8;
	s10 =	smov.u32 s7;
	p0 =	sne.s32 s7, $0x60  }
.Ltmp6:
0x144: {  	s7 =	sadd.s32 $0x14, s7;
	v10 =	vadd.s32 s9, v0;
	[tilespmem:v9+s15+$0x0] =	vst.idx.msk $0xf, v11;
	(pc) =	sbr.rel @p0 .LBB2_14-.Ltmp6, $3  }
0x145: {  	v9 =	vadd.s32 s10, v0;
	_ =	sdelay $0x1  }
0x146: {  	v7 =	vshrl.u32 v7, $0x1  }
0x147: {  	v8 =	vshrl.u32 v8, $0x1;
	v11 =	vadd.s32 $0xFFFFFFFF, v7  }
0x148: {  	_ =	sdelay $0x3  }
0x149: {  	[tilespmem:v10+s15+$0x0] =	vst.idx.msk $0xffff, v11;
	v7 =	vadd.s32 $0xFFFFFFFF, v8;
	s7 =	sadd.s32 s8, s6  }
0x14a: {  	s11 =	sshll.u32 s6, $0x7;
	[tilespmem:v9+s15+$0x0] =	vst.idx.msk $0xf, v7;
	s7 =	sshrl.u32 s7, $0x3  }
0x14b: {  	[tilespmem:s17], [sflag:$0x1] =	stream.indirect.gather [hbm4b:s2+s16], $0x80, s15, s16, $0xb8;
	[tilespmem:$0x9680] =	vst v63  }
0x14c: {  	s6 =	sand.u32 $0x300, s11;
	s9 =	sshll.u32 s7, $0xE  }
0x14d: {  	s7 =	sshll.u32 s7, $0xA;
	s9 =	sor.u32 s6, s9  }
0x14e: {  	s6 =	sor.u32 s6, s7;
	s9 =	sshrl.u32 s9, $0x3  }
0x14f: {  	s6 =	sshrl.u32 s6, $0x3;
	s9 =	sadd.s32 s5, s9  }
0x150: {  	[tilespmem:s20], [sflag:$0x1] =	stream.strided.gather [hbm4b:s9+s18], $0x800, s19, s18, $0x38;
	[tilespmem:$0x9680] =	vst v63  }
0x151: {  	s6 =	sadd.s32 s1, s6  }
0x152: {  	[tilespmem:s21], [sflag:$0x1] =	stream.linear.gather [hbm4b:s6+s4], $0x80, $0x38;
	[tilespmem:$0x9680] =	vst v63  }
.LBB2_16:
0x153: {  	_ =	swait.ge [sflag:s30], $0x3200  }
0x154: {  	[sflag:s30] =	ssyncset.done $0x0  }
0x155: {  	[sflag:s30] =	ssyncadd.s32 $0xFFFFCE00  }
0x156: {  	_ =	swait.ge [sflag:s30], $0x800  }
0x157: {  	[sflag:s30] =	ssyncset.done $0x0  }
0x158: {  	[sflag:s30] =	ssyncadd.s32 $0xFFFFF800  }
0x159: {  	_ =	swait.ge [sflag:s30], $0x80  }
0x15a: {  	[sflag:s30] =	ssyncset.done $0x0  }
0x15b: {  	[sflag:s30] =	ssyncadd.s32 $0xFFFFFF80  }
0x15c: {  	v13 =	vld [tilespmem:$0x7E80]  }
0x15d: {  	v14 =	vld [tilespmem:$0x7E90]  }
0x15e: {  	v12 =	vld [tilespmem:$0x7EA0]  }
0x15f: {  	v11 =	vld [tilespmem:$0x7EB0]  }
0x160: {  	v10 =	vld [tilespmem:$0x7EC0]  }
0x161: {  	v9 =	vld [tilespmem:$0x7ED0]  }
0x162: {  	v7 =	vld [tilespmem:$0x7EE0]  }
0x163: {  	s7 =	simm.s32 $0x3A40;
	v8 =	vld [tilespmem:$0x7EF0]  }
0x164: {  	v15 =	vld [tilespmem:s7+$0xFFFFFFC0]  }
0x165: {  	s6 =	simm.s32 $0x0;
	s10 =	simm.s32 $0x10;
	s9 =	simm.s32 $0x0;
	v16 =	vld [tilespmem:s7+$0xFFFFFFD0]  }
.LBB2_17:
0x166: {  	p0 =	sne.s32 s10, $0x630  }
0x167: {  	v17 =	vld [tilespmem:s7+$0xFFFFFFE0];
	_ =	sdelay $0x1  }
0x168: {  	v18 =	vld [tilespmem:s7+$0xFFFFFFF0]  }
0x169: {  	v15 =	vmul.f32 v15, v13;
	v16 =	vmul.f32 v16, v14  }
0x16a: {  	v19 =	vld [tilespmem:s7+$0x0]  }
0x16b: {  	v15 =	vadd.f32 v16, v15;
	v16 =	vmul.f32 v17, v12  }
0x16c: {  	v17 =	vld [tilespmem:s7+$0x10]  }
0x16d: {  	v15 =	vadd.f32 v16, v15;
	v16 =	vmul.f32 v18, v11  }
0x16e: {  	v18 =	vld [tilespmem:s7+$0x20]  }
0x16f: {  	v15 =	vadd.f32 v16, v15;
	v16 =	vmul.f32 v19, v10  }
0x170: {  	v19 =	vld [tilespmem:s7+$0x30]  }
0x171: {  	v15 =	vadd.f32 v16, v15;
	v16 =	vmul.f32 v17, v9;
	_ =	sdelay $0x1  }
0x172: {  	v15 =	vadd.f32 v16, v15;
	v16 =	vmul.f32 v18, v7  }
0x173: {  	v17 =	vor.u32 s9, v0;
	s9 =	smov.u32 s10  }
0x174: {  	v15 =	vadd.f32 v16, v15;
	v16 =	vmul.f32 v19, v8;
	_ =	sdelay $0x1  }
.Ltmp7:
0x175: {  	v15 =	vadd.f32 v16, v15;
	(pc) =	sbr.rel @p0 .LBB2_17-.Ltmp7, $4  }
0x176: {  	_ = 	snop  }
0x177: {  	s7 =	sadd.s32 $0x80, s7;
	[tilespmem:v17+s28+$0x0] =	vst.idx.msk $0xffff, v15  }
0x178: {  	v15 =	vld [tilespmem:s7+$0xFFFFFFC0]  }
0x179: {  	s10 =	sadd.s32 $0x10, s10;
	v16 =	vld [tilespmem:s7+$0xFFFFFFD0]  }
0x17a: {  	_ = 	snop  }
0x17b: {  	v17 =	vld [tilespmem:s7+$0xFFFFFFE0];
	_ =	sdelay $0x1  }
0x17c: {  	v18 =	vld [tilespmem:s7+$0xFFFFFFF0]  }
0x17d: {  	v13 =	vmul.f32 v15, v13;
	v14 =	vmul.f32 v16, v14  }
0x17e: {  	v15 =	vld [tilespmem:s7+$0x0]  }
0x17f: {  	v12 =	vmul.f32 v17, v12;
	v13 =	vadd.f32 v14, v13  }
0x180: {  	v14 =	vld [tilespmem:s7+$0x10]  }
0x181: {  	v11 =	vmul.f32 v18, v11;
	v12 =	vadd.f32 v12, v13  }
0x182: {  	v13 =	vld [tilespmem:s7+$0x20]  }
0x183: {  	v10 =	vmul.f32 v15, v10;
	v11 =	vadd.f32 v11, v12  }
0x184: {  	v12 =	vld [tilespmem:s7+$0x30]  }
0x185: {  	v9 =	vmul.f32 v14, v9;
	v10 =	vadd.f32 v10, v11;
	_ =	sdelay $0x1  }
0x186: {  	v9 =	vadd.f32 v9, v10;
	v10 =	vmul.f32 v13, v7;
	v7 =	vor.u32 s6, v0  }
0x187: {  	v11 =	vor.u32 s9, v0;
	v13 =	vshll.u32 v7, $0x4  }
0x188: {  	v8 =	vmul.f32 v12, v8;
	v9 =	vadd.f32 v10, v9;
	v10 =	vor.u32 $0x1, v13;
	_ =	sdelay $0x1  }
0x189: {  	v8 =	vadd.f32 v8, v9  }
0x18a: {  	v9 =	vor.u32 $0x2, v13  }
0x18b: {  	[tilespmem:v11+s28+$0x0] =	vst.idx.msk $0xffff, v8  }
0x18c: {  	v8 =	vld.idx.msk [tilespmem:v10+s28+$0x0], $0xffff;
	v10 =	vor.u32 $0x3, v13  }
0x18d: {  	v11 =	vld.idx.msk [tilespmem:v13+s28+$0x0], $0xffff  }
0x18e: {  	v12 =	vor.u32 $0x4, v13  }
0x18f: {  	v9 =	vld.idx.msk [tilespmem:v9+s28+$0x0], $0xffff  }
0x190: {  	v14 =	vor.u32 $0x5, v13  }
0x191: {  	v10 =	vld.idx.msk [tilespmem:v10+s28+$0x0], $0xffff  }
0x192: {  	v15 =	vor.u32 $0x6, v13;
	v8 =	vadd.f32 v8, v11  }
0x193: {  	v11 =	vld.idx.msk [tilespmem:v12+s28+$0x0], $0xffff  }
0x194: {  	v12 =	vor.u32 $0x7, v13;
	v8 =	vadd.f32 v9, v8  }
0x195: {  	v9 =	vld.idx.msk [tilespmem:v14+s28+$0x0], $0xffff  }
0x196: {  	v14 =	vor.u32 $0x8, v13;
	v8 =	vadd.f32 v10, v8  }
0x197: {  	v10 =	vld.idx.msk [tilespmem:v15+s28+$0x0], $0xffff  }
0x198: {  	v15 =	vor.u32 $0x9, v13;
	v8 =	vadd.f32 v11, v8  }
0x199: {  	v11 =	vld.idx.msk [tilespmem:v12+s28+$0x0], $0xffff  }
0x19a: {  	v12 =	vor.u32 $0xA, v13;
	v8 =	vadd.f32 v9, v8  }
0x19b: {  	v9 =	vld.idx.msk [tilespmem:v14+s28+$0x0], $0xffff  }
0x19c: {  	v14 =	vor.u32 $0xB, v13;
	v8 =	vadd.f32 v10, v8  }
0x19d: {  	v10 =	vld.idx.msk [tilespmem:v15+s28+$0x0], $0xffff  }
0x19e: {  	v15 =	vor.u32 $0xC, v13;
	v8 =	vadd.f32 v11, v8  }
0x19f: {  	v11 =	vld.idx.msk [tilespmem:v12+s28+$0x0], $0xffff  }
0x1a0: {  	v8 =	vadd.f32 v9, v8  }
0x1a1: {  	v12 =	vor.u32 $0xD, v13;
	v9 =	vld.idx.msk [tilespmem:v14+s28+$0x0], $0xffff  }
0x1a2: {  	v8 =	vadd.f32 v10, v8  }
0x1a3: {  	v14 =	vor.u32 $0xE, v13;
	v10 =	vld.idx.msk [tilespmem:v15+s28+$0x0], $0xffff  }
0x1a4: {  	v8 =	vadd.f32 v11, v8  }
0x1a5: {  	v11 =	vor.u32 $0xF, v13  }
0x1a6: {  	v12 =	vld.idx.msk [tilespmem:v12+s28+$0x0], $0xffff;
	v8 =	vadd.f32 v9, v8;
	_ =	sdelay $0x1  }
0x1a7: {  	v8 =	vadd.f32 v10, v8;
	v10 =	vld.idx.msk [tilespmem:v14+s28+$0x0], $0xffff;
	_ =	sdelay $0x1  }
0x1a8: {  	s11 =	simm.s32 $0x10;
	v11 =	vld.idx.msk [tilespmem:v11+s28+$0x0], $0xffff  }
0x1a9: {  	v9 =	vor.u32 s11, v0;
	v12 =	vadd.f32 v12, v8  }
0x1aa: {  	s6 =	simm.s32 $0x20;
	v8 =	vshll.u32 v9, $0x4  }
.LBB2_19:
0x1ab: {  	p0 =	sne.s32 s6, $0x60;
	v13 =	vor.u32 $0x1, v8;
	v10 =	vadd.f32 v10, v12;
	_ =	sdelay $0x1  }
0x1ac: {  	v10 =	vadd.f32 v11, v10  }
0x1ad: {  	v11 =	vor.u32 $0x2, v8  }
0x1ae: {  	[tilespmem:v7+s29+$0x0] =	vst.idx.msk $0xffff, v10;
	v7 =	vmov v9  }
0x1af: {  	v10 =	vor.u32 $0x3, v8;
	v9 =	vld.idx.msk [tilespmem:v13+s28+$0x0], $0xffff  }
0x1b0: {  	v12 =	vld.idx.msk [tilespmem:v8+s28+$0x0], $0xffff  }
0x1b1: {  	v13 =	vor.u32 $0x4, v8  }
0x1b2: {  	v11 =	vld.idx.msk [tilespmem:v11+s28+$0x0], $0xffff  }
0x1b3: {  	v14 =	vor.u32 $0x5, v8  }
0x1b4: {  	v10 =	vld.idx.msk [tilespmem:v10+s28+$0x0], $0xffff  }
0x1b5: {  	v15 =	vor.u32 $0x6, v8  }
0x1b6: {  	v9 =	vadd.f32 v9, v12;
	v12 =	vld.idx.msk [tilespmem:v13+s28+$0x0], $0xffff  }
0x1b7: {  	v13 =	vor.u32 $0x7, v8  }
0x1b8: {  	v9 =	vadd.f32 v11, v9;
	v11 =	vld.idx.msk [tilespmem:v14+s28+$0x0], $0xffff  }
0x1b9: {  	v14 =	vor.u32 $0x8, v8  }
0x1ba: {  	v9 =	vadd.f32 v10, v9;
	v10 =	vld.idx.msk [tilespmem:v15+s28+$0x0], $0xffff  }
0x1bb: {  	v15 =	vor.u32 $0x9, v8  }
0x1bc: {  	v9 =	vadd.f32 v12, v9;
	v12 =	vld.idx.msk [tilespmem:v13+s28+$0x0], $0xffff  }
0x1bd: {  	v13 =	vor.u32 $0xA, v8  }
0x1be: {  	v9 =	vadd.f32 v11, v9;
	v11 =	vld.idx.msk [tilespmem:v14+s28+$0x0], $0xffff  }
0x1bf: {  	v14 =	vor.u32 $0xB, v8  }
0x1c0: {  	v9 =	vadd.f32 v10, v9;
	v10 =	vld.idx.msk [tilespmem:v15+s28+$0x0], $0xffff  }
0x1c1: {  	v15 =	vor.u32 $0xC, v8  }
0x1c2: {  	v9 =	vadd.f32 v12, v9;
	v12 =	vld.idx.msk [tilespmem:v13+s28+$0x0], $0xffff  }
0x1c3: {  	v13 =	vor.u32 $0xD, v8  }
0x1c4: {  	v9 =	vadd.f32 v11, v9;
	v11 =	vld.idx.msk [tilespmem:v14+s28+$0x0], $0xffff  }
0x1c5: {  	v14 =	vor.u32 $0xE, v8  }
0x1c6: {  	v9 =	vadd.f32 v10, v9;
	v15 =	vld.idx.msk [tilespmem:v15+s28+$0x0], $0xffff  }
0x1c7: {  	v8 =	vor.u32 $0xF, v8  }
0x1c8: {  	v9 =	vadd.f32 v12, v9;
	v12 =	vld.idx.msk [tilespmem:v13+s28+$0x0], $0xffff;
	_ =	sdelay $0x1  }
0x1c9: {  	v9 =	vadd.f32 v11, v9;
	v10 =	vld.idx.msk [tilespmem:v14+s28+$0x0], $0xffff  }
.Ltmp8:
0x1ca: {  	(pc) =	sbr.rel @p0 .LBB2_19-.Ltmp8, $3  }
0x1cb: {  	v13 =	vadd.f32 v15, v9;
	v11 =	vld.idx.msk [tilespmem:v8+s28+$0x0], $0xffff;
	_ =	sdelay $0x1  }
0x1cc: {  	v9 =	vor.u32 s6, v0;
	v12 =	vadd.f32 v12, v13  }
0x1cd: {  	s6 =	sadd.s32 $0x10, s6;
	v8 =	vshll.u32 v9, $0x4  }
0x1ce: {  	v13 =	vor.u32 $0x1, v8;
	v10 =	vadd.f32 v10, v12;
	_ =	sdelay $0x1  }
0x1cf: {  	v10 =	vadd.f32 v11, v10  }
0x1d0: {  	v11 =	vor.u32 $0x2, v8  }
0x1d1: {  	[tilespmem:v7+s29+$0x0] =	vst.idx.msk $0xffff, v10  }
0x1d2: {  	v10 =	vor.u32 $0x3, v8;
	v7 =	vld.idx.msk [tilespmem:v13+s28+$0x0], $0xffff  }
0x1d3: {  	v50 =	vld.idx.msk [tilespmem:v8+s28+$0x0], $0xffff  }
0x1d4: {  	v51 =	vor.u32 $0x4, v8  }
0x1d5: {  	v11 =	vld.idx.msk [tilespmem:v11+s28+$0x0], $0xffff  }
0x1d6: {  	v14 =	vor.u32 $0x5, v8  }
0x1d7: {  	v10 =	vld.idx.msk [tilespmem:v10+s28+$0x0], $0xffff  }
0x1d8: {  	v15 =	vor.u32 $0x6, v8;
	v7 =	vadd.f32 v7, v50  }
0x1d9: {  	v52 =	vld.idx.msk [tilespmem:v51+s28+$0x0], $0xffff  }
0x1da: {  	v53 =	vor.u32 $0x7, v8;
	v7 =	vadd.f32 v11, v7  }
0x1db: {  	v11 =	vld.idx.msk [tilespmem:v14+s28+$0x0], $0xffff  }
0x1dc: {  	v54 =	vor.u32 $0x8, v8;
	v7 =	vadd.f32 v10, v7  }
0x1dd: {  	v10 =	vld.idx.msk [tilespmem:v15+s28+$0x0], $0xffff  }
0x1de: {  	v55 =	vor.u32 $0x9, v8;
	v7 =	vadd.f32 v52, v7  }
0x1df: {  	v56 =	vld.idx.msk [tilespmem:v53+s28+$0x0], $0xffff  }
0x1e0: {  	v57 =	vor.u32 $0xA, v8;
	v7 =	vadd.f32 v11, v7  }
0x1e1: {  	v11 =	vld.idx.msk [tilespmem:v54+s28+$0x0], $0xffff  }
0x1e2: {  	v58 =	vor.u32 $0xB, v8;
	v7 =	vadd.f32 v10, v7  }
0x1e3: {  	v10 =	vld.idx.msk [tilespmem:v55+s28+$0x0], $0xffff  }
0x1e4: {  	v59 =	vor.u32 $0xC, v8;
	v7 =	vadd.f32 v56, v7  }
0x1e5: {  	v60 =	vld.idx.msk [tilespmem:v57+s28+$0x0], $0xffff  }
0x1e6: {  	v61 =	vor.u32 $0xD, v8;
	v7 =	vadd.f32 v11, v7  }
0x1e7: {  	v11 =	vld.idx.msk [tilespmem:v58+s28+$0x0], $0xffff  }
0x1e8: {  	v62 =	vor.u32 $0xE, v8;
	v7 =	vadd.f32 v10, v7  }
0x1e9: {  	v10 =	vld.idx.msk [tilespmem:v59+s28+$0x0], $0xffff  }
0x1ea: {  	v8 =	vor.u32 $0xF, v8;
	v7 =	vadd.f32 v60, v7  }
0x1eb: {  	v63 =	vld.idx.msk [tilespmem:v61+s28+$0x0], $0xffff  }
0x1ec: {  	v7 =	vadd.f32 v11, v7  }
0x1ed: {  	v11 =	vld.idx.msk [tilespmem:v62+s28+$0x0], $0xffff  }
0x1ee: {  	v7 =	vadd.f32 v10, v7  }
0x1ef: {  	v8 =	vld.idx.msk [tilespmem:v8+s28+$0x0], $0xffff  }
0x1f0: {  	v7 =	vadd.f32 v63, v7;
	_ =	sdelay $0x1  }
0x1f1: {  	s6 =	simm.s32 $0x10;
	v7 =	vadd.f32 v11, v7  }
0x1f2: {  	s7 =	simm.s32 $0x0;
	v10 =	vadd.s32 s6, v0  }
0x1f3: {  	v7 =	vadd.f32 v8, v7;
	v8 =	vadd.s32 s7, v0;
	_ =	sdelay $0x2  }
0x1f4: {  	[tilespmem:v9+s29+$0x0] =	vst.idx.msk $0xffff, v7  }
0x1f5: {  	v9 =	vld.idx.msk [tilespmem:v10+s29+$0x0], $0xffff  }
0x1f6: {  	v8 =	vld.idx.msk [tilespmem:v8+s29+$0x0], $0xffff;
	_ =	sdelay $0x2  }
0x1f7: {  	v7 =	vld.idx.msk [tilespmem:v5+s14+$0x0], $0xffff  }
0x1f8: {  	v10 =	vld.idx.msk [tilespmem:v6+s14+$0x0], $0xffff;
	v9 =	vsub.f32 $0.0e+00, v9  }
0x1f9: {  	v8 =	vsub.f32 $0.0e+00, v8  }
0x1fa: {  	v9 =	vmul.f32 $1.442695020e+00, v9  }
0x1fb: {  	v11 =	vmul.f32 $1.442695020e+00, v8  }
0x1fc: {  	(erf) = vpow2.f32 v9  }
0x1fd: {  	(erf) = vpow2.f32 v11;
	_ =	sdelay $0x1  }
0x1fe: {  	s11 =	simm.s32 $0x24;
	v7 =	vld.idx.msk [tilespmem:v7+s24+$0x0], $0xffff  }
0x1ff: {  	s6 =	simm.s32 $0x38;
	s7 =	simm.s32 $0x14;
	v8 =	vld.idx.msk [tilespmem:v10+s24+$0x0], $0xffff;
	v9 =	vadd.s32 s11, v0  }
.LBB2_21:
0x200: {  	p0 =	sne.s32 s6, $0x4C;
	v10 =	vadd.s32 s7, v0;
	_ =	sdelay $0x3  }
0x201: {  	v9 =	vld.idx.msk [tilespmem:v9+s29+$0x0], $0xffff;
	v11 =	vpop (erf)  }
0x202: {  	v10 =	vld.idx.msk [tilespmem:v10+s29+$0x0], $0xffff;
	v11 =	vadd.f32 $1.000000000e+00, v11;
	v12 =	vpop (erf)  }
0x203: {  	v12 =	vadd.f32 $1.000000000e+00, v12  }
0x204: {  	(erf) = vrcp.f32 v11  }
0x205: {  	(erf) = vrcp.f32 v12;
	_ =	sdelay $0x1  }
0x206: {  	v9 =	vsub.f32 $0.0e+00, v9  }
0x207: {  	v10 =	vsub.f32 $0.0e+00, v10  }
0x208: {  	v9 =	vmul.f32 $1.442695020e+00, v9  }
0x209: {  	v11 =	vmul.f32 $1.442695020e+00, v10  }
.Ltmp9:
0x20a: {  	(erf) = vpow2.f32 v9;
	(pc) =	sbr.rel @p0 .LBB2_21-.Ltmp9, $4  }
0x20b: {  	(erf) = vpow2.f32 v11  }
0x20c: {  	v10 =	vpop (erf)  }
0x20d: {  	v11 =	vpop (erf)  }
0x20e: {  	s7 =	sadd.s32 $0xFFFFFFF0, s6;
	v9 =	vadd.s32 s6, v0;
	s6 =	sadd.s32 $0x14, s6;
	v8 =	vmul.f32 v10, v8;
	v7 =	vmul.f32 v11, v7  }
0x20f: {  	v10 =	vadd.s32 s7, v0;
	_ =	sdelay $0x3  }
0x210: {  	v9 =	vld.idx.msk [tilespmem:v9+s29+$0x0], $0xffff  }
0x211: {  	v10 =	vld.idx.msk [tilespmem:v10+s29+$0x0], $0xffff;
	_ =	sdelay $0x2  }
0x212: {  	v11 =	vpop (erf)  }
0x213: {  	v11 =	vadd.f32 $1.000000000e+00, v11;
	v12 =	vpop (erf);
	v9 =	vsub.f32 $0.0e+00, v9  }
0x214: {  	v12 =	vadd.f32 $1.000000000e+00, v12;
	v10 =	vsub.f32 $0.0e+00, v10  }
0x215: {  	(erf) = vrcp.f32 v11;
	v9 =	vmul.f32 $1.442695020e+00, v9  }
0x216: {  	(erf) = vrcp.f32 v12;
	v10 =	vmul.f32 $1.442695020e+00, v10  }
0x217: {  	(erf) = vpow2.f32 v9  }
0x218: {  	(erf) = vpow2.f32 v10;
	_ =	sdelay $0x3  }
0x219: {  	v56 =	vld.idx.msk [tilespmem:v3+s29+$0x0], $0xffff;
	_ =	sdelay $0x1  }
0x21a: {  	v57 =	vpop (erf)  }
0x21b: {  	v58 =	vpop (erf)  }
0x21c: {  	v59 =	vpop (erf)  }
0x21d: {  	v9 =	vsub.f32 $0.0e+00, v56;
	v12 =	vadd.f32 $1.000000000e+00, v59;
	v13 =	vpop (erf)  }
0x21e: {  	v13 =	vadd.f32 $1.000000000e+00, v13  }
0x21f: {  	v9 =	vmul.f32 $1.442695020e+00, v9;
	(erf) = vrcp.f32 v12  }
0x220: {  	(erf) = vrcp.f32 v13  }
0x221: {  	(erf) = vpow2.f32 v9;
	_ =	sdelay $0x3  }
0x222: {  	v60 =	vld.idx.msk [tilespmem:v4+s29+$0x0], $0xffff;
	_ =	sdelay $0x2  }
0x223: {  	v12 =	vpop (erf)  }
0x224: {  	v13 =	vpop (erf)  }
0x225: {  	v9 =	vsub.f32 $0.0e+00, v60;
	v14 =	vpop (erf)  }
0x226: {  	v14 =	vadd.f32 $1.000000000e+00, v14  }
0x227: {  	v9 =	vmul.f32 $1.442695020e+00, v9  }
0x228: {  	(erf) = vrcp.f32 v14  }
0x229: {  	(erf) = vpow2.f32 v9;
	_ =	sdelay $0x7  }
0x22a: {  	v61 =	vpop (erf)  }
0x22b: {  	v62 =	vpop (erf)  }
0x22c: {  	v14 =	vadd.f32 $1.000000000e+00, v62;
	_ =	sdelay $0x1  }
0x22d: {  	v5 =	vld.idx.msk [tilespmem:v5+s4+$0x0], $0xffff;
	(erf) = vrcp.f32 v14  }
0x22e: {  	v6 =	vld.idx.msk [tilespmem:v6+s4+$0x0], $0xffff;
	_ =	sdelay $0x3  }
0x22f: {  	v5 =	vadd.s32 $0x186A0, v5  }
0x230: {  	vm0 =	vgt.s32 v5, $0x1FFFF;
	v5 =	vadd.s32 $0x186A0, v6;
	v7 =	vmul.f32 v58, v7  }
0x231: {  	s3 =	sadd.s32 $0x1, s3;
	v8 =	vmul.f32 v57, v8  }
0x232: {  	p0 =	sne.s32 s3, $0x10;
	v7 =	vmul.f32 v13, v7  }
.Ltmp10:
0x233: {  	vm15 =	vgt.s32 v5, $0x1FFFF;
	v6 =	vmul.f32 v12, v8;
	v63 =	vnsel vm0, $0x3F800000, v61;
	v5 =	vpop (erf);
	(pc) =	sbr.rel @p0 .LBB2_4-.Ltmp10, $4  }
0x234: {  	v7 =	vmul.f32 v63, v7;
	v5 =	vnsel vm15, $0x3F800000, v5  }
0x235: {  	v5 =	vmul.f32 v5, v6  }
0x236: {  	[tilespmem:s31+$0x8680] =	vst v7  }
0x237: {  	[tilespmem:s31+$0x8690] =	vst v5  }
0x238: {  	s0 =	sadd.s32 $0x1, s0  }
0x239: {  	p0 =	sne.s32 s0, s12  }
.Ltmp11:
0x23a: {  	s3 =	rddreg [dreg:$0xa];
	s6 =	simm.s32 $0x8680;
	(pc) =	sbr.rel @p0 .LBB2_1-.Ltmp11, $4  }
0x23b: {  	[hbm4b:s3+s4] =	stream.linear.scatter [tilespmem:s6], [sflag:$0x3], $0x1000, $0x38;
	[tilespmem:$0x9680] =	vst v63  }
0x23c: {  	_ =	swait.ge [sflag:s13], $0x1000  }
0x23d: {  	[sflag:s13] =	ssyncset.done $0x0  }
0x23e: {  	[sflag:s13] =	ssyncadd.s32 $0xFFFFF000  }
0x23f: {  	_ =	sfence.sel $0x180000  }
0x240: {  	[bflag:$0x0] =	sbarrier.arrive $0xFFFF  }
0x241: {  	_ =	strace $0x9000004A  }
0x242: {  	s0 =	stileid.u32;
	[bflag:$0x2] =	sbarrier.arrive $0xFFFF  }
0x243: {  	p0 =	sne.s32 s0, $0x0;
	s0 =	rddreg [dreg:$0x5]  }
0x244: {  	s0 =	sadd.s32 @!p0 $0x100000, s0  }
0x245: {  	[sflag:s0] =	ssyncadd.tile.s32 @!p0 $0x1;
	_ =	shalt  }
.Lfunc_end2:
_tile_overlayer_lowered:
.L_overlay_start_2:
0x246: {  	(tag) =	ssettag $0x2  }
0x247: {  	s0 =	rddreg [dreg:$0x0];
	s2 =	stileid.u32  }
0x248: {  	s1 =	rddreg [dreg:$0x1];
	p0 =	sne.s32 s2, $0x0  }
0x249: {  	s3 =	rddreg [dreg:$0x2];
	[bflag:$0x3] =	sbarrier.arrive $0xFFFF;
	s2 =	simm.s32 @!p0 $0x1C03  }
0x24a: {  	[timem:s3], [sflag:s2] =	dma.local @!p0 [hbm:s0], s1  }
0x24b: {  	s0 =	simm.s32 @!p0 $0x3  }
0x24c: {  	_ =	swait.ge @!p0 [sflag:s0], s1  }
0x24d: {  	s1 =	ssub.s32 @!p0 $0x0, s1;
	[sflag:s0] =	ssyncset.done @!p0 $0x0  }
0x24e: {  	[sflag:s0] =	ssyncadd.s32 @!p0 s1  }
0x24f: {  	[bflag:$0x3] =	sbarrier.arrive $0xFFFF  }
0x250: {  	_ =	shalt  }

// kernel: gather_offload_async_start
scs
__scs_entry_jumppad:
0x0: {  	(pc) =	sbr.rel $0x88, $3  }
0x1: {  	(tag) =	ssettag $0x0;
	lr =	simm.s32 $0x1  }
0x2: {  	[smem:$0x3F9E] =	sst lr;
	_ =	strace $0xD0000000  }
0x3: {  	_ = 	snop  }
0x4: {  	_ = 	snop  }
0x5: {  	_ = 	snop  }
0x6: {  	_ = 	snop  }
0x7: {  	_ = 	snop  }
__scs_overlays_trampoline_lowered:
0x8: {  	[smem:$0x3FAD] =	sst s0  }
0x9: {  	[smem:$0x3FAE] =	sst s1  }
0xa: {  	[smem:$0x3FAF] =	sst s2  }
0xb: {  	[smem:$0x3FB0] =	sst s3  }
0xc: {  	[smem:$0x3FB1] =	sst s4  }
0xd: {  	[smem:$0x3FB2] =	sst s5  }
0xe: {  	[smem:$0x3FB3] =	sst s6  }
0xf: {  	[smem:$0x3FB4] =	sst s7  }
0x10: {  	[smem:$0x3FB5] =	sst s8  }
0x11: {  	[smem:$0x3FB6] =	sst s9;
	s0 =	simm.s32 @!p0 $0x0  }
0x12: {  	s1 =	sld [smem:$0x3F9C];
	s0 =	simm.s32 @p0 $0x1  }
0x13: {  	[smem:$0x3FB7] =	sst s0;
	s0 =	simm.s32 @!p1 $0x0  }
0x14: {  	s2 =	sld [smem:$0x3F9B];
	s0 =	simm.s32 @p1 $0x1  }
0x15: {  	[smem:$0x3FB8] =	sst s0;
	s0 =	simm.s32 @!p2 $0x0  }
0x16: {  	s3 =	sld [smem:$0x3FDB];
	s0 =	simm.s32 @p2 $0x1  }
0x17: {  	s4 =	simm.s32 $0x1BF5;
	[smem:$0x3FBA] =	sst s0  }
0x18: {  	s0 =	sld [smem:$0x3F9D];
	_ =	swait.ge [sflag:s4], $0x0  }
0x19: {  	s7 =	sld [smem:$0x3F9E]  }
0x1a: {  	s8 =	sadd.s32 $0xFFFFE003, lr  }
0x1b: {  	s9 =	sadd.s32 $0xFFFFFEF7, lr;
	s5 =	simm.s32 $0xFFFFFFFF;
	p2 =	slt.u32 s8, $0xFFFFF086  }
0x1c: {  	p1 =	slt.u32 s9, $0xF7A;
	s5 =	simm.s32 @!p2 $0x0  }
0x1d: {  	s5 =	simm.s32 @p1 $0x1;
	p0 =	seq.s32 s7, s2  }
0x1e: {  	s7 =	smul.u32 @!p0 $0xF7A, s2;
	p2 =	seq.s32 @!p0 s5, $0x0  }
0x1f: {  	s9 =	smul.u32 $0xF7A, s1;
	s8 =	simm.s32 @!p0 $0x1BF5;
	p2 =	por !p2, p0  }
0x20: {  	[sflag:s8] =	ssyncset.s32 @!p0 $0xFFFFF086;
	s6 =	sadd.s32 @!p0 s3, s7;
	s7 =	simm.s32 @!p0 $0x108  }
0x21: {  	s3 =	sadd.s32 s3, s9;
	s6 =	sadd.s32 @!p0 $0x88, s6;
	s7 =	simm.s32 @p2 $0x1082  }
0x22: {  	[simem:s7], [sflag:s8] =	dma.local @!p0 [hbm:s6], $0xF7A  }
0x23: {  	s9 =	sor.u32 $0xD0000000, s2;
	s6 =	simm.s32 $0x108;
	_ =	swait.ge @!p0 [sflag:s8], $0x0  }
0x24: {  	s3 =	sadd.s32 $0x88, s3;
	s6 =	simm.s32 @!p1 $0x1082;
	[sflag:s4] =	ssyncset.s32 $0xFFFFF086  }
0x25: {  	[simem:s6], [sflag:s4] =	dma.local [hbm:s3], $0xF7A  }
0x26: {  	[smem:$0x3F9E] =	sst s1;
	(tag) =	ssettag s2;
	_ =	strace s9  }
0x27: {  	s1 =	sld [smem:$0x3FAE]  }
0x28: {  	s2 =	sld [smem:$0x3FAF]  }
0x29: {  	s4 =	sld [smem:$0x3FB1]  }
0x2a: {  	p0 =	seq.s32 s5, $0x0;
	s5 =	sld [smem:$0x3FB2]  }
0x2b: {  	s6 =	sld [smem:$0x3FB3]  }
0x2c: {  	s7 =	sld [smem:$0x3FB4]  }
0x2d: {  	s3 =	simm.s32 $0x108;
	s8 =	sld [smem:$0x3FB5]  }
0x2e: {  	s3 =	simm.s32 @!p0 $0x1082;
	s9 =	sld [smem:$0x3FB6]  }
0x2f: {  	lr =	sadd.s32 s0, s3;
	s0 =	sld [smem:$0x3FAD]  }
0x30: {  	s3 =	sld [smem:$0x3FB0]  }
0x31: {  	[smem:$0x3FB9] =	sst s10  }
0x32: {  	s10 =	sld [smem:$0x3FB7];
	_ =	sdelay $0x3  }
0x33: {  	p0 =	seq.s32 s10, $0x1;
	s10 =	sld [smem:$0x3FB9];
	_ =	sdelay $0x3  }
0x34: {  	[smem:$0x3FB9] =	sst s10  }
0x35: {  	s10 =	sld [smem:$0x3FB8];
	_ =	sdelay $0x3  }
0x36: {  	p1 =	seq.s32 s10, $0x1;
	s10 =	sld [smem:$0x3FB9];
	_ =	sdelay $0x3  }
0x37: {  	[smem:$0x3FB9] =	sst s10  }
0x38: {  	s10 =	sld [smem:$0x3FBA]  }
0x39: {  	_ = 	snop;
	(pc) =	sbr.ind lr, $3  }
0x3a: {  	_ = 	snop  }
0x3b: {  	_ = 	snop  }
0x3c: {  	p2 =	seq.s32 s10, $0x1;
	s10 =	sld [smem:$0x3FB9]  }
0x3d: {  	_ =	shalt  }
0x3e: {  	_ =	shalt  }
0x3f: {  	_ =	shalt  }
0x40: {  	_ =	shalt  }
0x41: {  	_ =	shalt  }
0x42: {  	_ =	shalt  }
0x43: {  	_ =	shalt  }
0x44: {  	_ =	shalt  }
0x45: {  	_ =	shalt  }
0x46: {  	_ =	shalt  }
0x47: {  	_ =	shalt  }
0x48: {  	_ =	shalt  }
0x49: {  	_ =	shalt  }
0x4a: {  	_ =	shalt  }
0x4b: {  	_ =	shalt  }
0x4c: {  	_ =	shalt  }
0x4d: {  	_ =	shalt  }
0x4e: {  	_ =	shalt  }
0x4f: {  	_ =	shalt  }
0x50: {  	_ =	shalt  }
0x51: {  	_ =	shalt  }
0x52: {  	_ =	shalt  }
0x53: {  	_ =	shalt  }
0x54: {  	_ =	shalt  }
0x55: {  	_ =	shalt  }
0x56: {  	_ =	shalt  }
0x57: {  	_ =	shalt  }
0x58: {  	_ =	shalt  }
0x59: {  	_ =	shalt  }
0x5a: {  	_ =	shalt  }
0x5b: {  	_ =	shalt  }
0x5c: {  	_ =	shalt  }
0x5d: {  	_ =	shalt  }
0x5e: {  	_ =	shalt  }
0x5f: {  	_ =	shalt  }
0x60: {  	_ =	shalt  }
0x61: {  	_ =	shalt  }
0x62: {  	_ =	shalt  }
0x63: {  	_ =	shalt  }
0x64: {  	_ =	shalt  }
0x65: {  	_ =	shalt  }
0x66: {  	_ =	shalt  }
0x67: {  	_ =	shalt  }
0x68: {  	_ =	shalt  }
0x69: {  	_ =	shalt  }
0x6a: {  	_ =	shalt  }
0x6b: {  	_ =	shalt  }
0x6c: {  	_ =	shalt  }
0x6d: {  	_ =	shalt  }
0x6e: {  	_ =	shalt  }
0x6f: {  	_ =	shalt  }
0x70: {  	_ =	shalt  }
0x71: {  	_ =	shalt  }
0x72: {  	_ =	shalt  }
0x73: {  	_ =	shalt  }
0x74: {  	_ =	shalt  }
0x75: {  	_ =	shalt  }
0x76: {  	_ =	shalt  }
0x77: {  	_ =	shalt  }
0x78: {  	_ =	shalt  }
0x79: {  	_ =	shalt  }
0x7a: {  	_ =	shalt  }
0x7b: {  	_ =	shalt  }
0x7c: {  	_ =	shalt  }
0x7d: {  	_ =	shalt  }
0x7e: {  	_ =	shalt  }
0x7f: {  	_ =	shalt  }
0x80: {  	_ =	shalt  }
0x81: {  	_ =	shalt  }
0x82: {  	_ =	shalt  }
0x83: {  	_ =	shalt  }
0x84: {  	_ =	shalt  }
0x85: {  	_ =	shalt  }
0x86: {  	_ =	shalt  }
0x87: {  	_ =	shalt  }
.Lfunc_end0:
.L_simem_size_0:
called_computation_lowered:
.L_overlay_start_0:
0x88: {  	s2 =	sld [smem:$0x3FD9]  }
0x89: {  	s3 =	sld [smem:$0x3FFE];
	_ =	sdelay $0x1  }
0x8a: {  	s1 =	srdreg.scid  }
0x8b: {  	s0 =	sand.u32 $0x1, s1  }
0x8c: {  	s17 =	sshll.u32 s0, $0xA;
	s2 =	sadd.s32 s3, s2  }
0x8d: {  	s2 =	sadd.s32 s2, s17  }
0x8e: {  	[smem:$0x3FC5] =	sst s2  }
0x8f: {  	_ = 	snop  }
0x90: {  	s2 =	sld [smem:$0x3FC7];
	(tm) =	ssettm $0x1  }
0x91: {  	s18 =	sld [smem:$0x3FFB];
	_ =	sdelay $0x3  }
0x92: {  	_ =	strace s18  }
0x93: {  	s3 =	sld [smem:$0x3FFC];
	_ =	sdelay $0x3  }
0x94: {  	_ =	strace s3  }
0x95: {  	s3 =	sld [smem:$0x3FFD];
	_ =	sdelay $0x3  }
0x96: {  	_ =	strace s3  }
0x97: {  	_ =	strace $0x8FFFFFFF  }
0x98: {  	s19 =	sld [smem:$0x3FDB];
	_ =	sdelay $0x1  }
0x99: {  	s4 =	simm.s32 $_scs_section_size  }
0x9a: {  	s5 =	simm.s32 $_size__tile_overlayer_lowered;
	s6 =	simm.s32 $_tile_overlayer_lowered  }
0x9b: {  	s22 =	simm.s32 $0x1BFF;
	s21 =	sshll.u32 s6, $0x1;
	s3 =	sadd.s32 s4, s19  }
0x9c: {  	s7 =	simm.s32 $0x0;
	s20 =	sshll.u32 s5, $0x1;
	s5 =	sadd.s32 s21, s3  }
0x9d: {  	[timem:s7], [sflag:s22] =	dma.local [hbm:s5], s20  }
0x9e: {  	_ =	swait.ge [sflag:s22], s20  }
0x9f: {  	s4 =	ssub.s32 $0x0, s20;
	[sflag:s22] =	ssyncset.done $0x0  }
0xa0: {  	[sflag:s22] =	ssyncadd.s32 s4;
	_ =	sdelay $0x1  }
0xa1: {  	s23 =	simm.s32 $0x1B8B  }
0xa2: {  	_ =	swait.ge [sflag:s23], $0x1  }
0xa3: {  	[sflag:s23] =	ssyncset.done $0x0  }
0xa4: {  	s25 =	simm.s32 $0x1B8E;
	s24 =	sld [smem:$0x3FFE];
	[sflag:s23] =	ssyncadd.s32 $0xFFFFFFFF  }
0xa5: {  	s26 =	simm.s32 $execute0_lowered;
	[smem:$0x3FD2] =	sst s25  }
0xa6: {  	s5 =	sshll.u32 s26, $0x1;
	_ =	strace $0x80000046;
	[dreg:$0x1] =	wrdreg $0xFFFFFFFF  }
0xa7: {  	s28 =	simm.s32 $_size_execute0_lowered;
	s3 =	sadd.s32 s3, s5;
	[dreg:$0x0] =	wrdreg $0x0  }
0xa8: {  	s5 =	sshll.u32 s28, $0x1;
	[dreg:$0x2] =	wrdreg s3  }
0xa9: {  	[dreg:$0x3] =	wrdreg s5  }
0xaa: {  	[dreg:$0x4] =	wrdreg $0xC0  }
0xab: {  	_ =	task [dreg:s7], $0x5FFFF  }
0xac: {  	[dreg:$0x1] =	wrdreg $0xFFFFFFFF  }
0xad: {  	[dreg:$0x0] =	wrdreg $0x60  }
0xae: {  	[dreg:$0x2] =	wrdreg s2  }
0xaf: {  	[dreg:$0x3] =	wrdreg s24  }
0xb0: {  	[dreg:$0x4] =	wrdreg $0x9  }
0xb1: {  	_ =	task.clear_ibuf [dreg:s7], $0x5FFFF;
	_ =	strace $0x90000046  }
0xb2: {  	s29 =	simm.s32 $0x9;
	_ =	strace $0x80000048  }
0xb3: {  	_ =	swait.ge [sflag:s29], $0x1  }
0xb4: {  	[sflag:s29] =	ssyncadd.s32 $0xFFFFFFFF  }
0xb5: {  	_ =	strace $0x90000048  }
0xb6: {  	_ =	sfence  }
0xb7: {  	s30 =	sld [smem:$0x0];
	_ =	sdelay $0x2  }
0xb8: {  	s31 =	sshll.u32 s1, $0xD;
	s1 =	sshrl.u32 s1, $0x2  }
0xb9: {  	s3 =	sand.u32 $0x4000, s31;
	s1 =	sadd.s32 s1, s30  }
0xba: {  	s0 =	sor.u32 s3, s0;
	s1 =	sshll.u32 s1, $0x11  }
0xbb: {  	s0 =	sor.u32 s1, s0  }
0xbc: {  	s0 =	sadd.s32 $0x8F2B, s0  }
0xbd: {  	[sflag:s0] =	ssyncadd.remote.s32 $0x1  }
0xbe: {  	_ =	sfence.sel $0xFFFF  }
0xbf: {  	[dreg:$0x0] =	wrdreg $0xFFFFFFFF;
	(pc) =	sbr.abs _section_cstart, $3  }
0xc0: {  	[dreg:$0x1] =	wrdreg $0xFFFFFFFF  }
0xc1: {  	_ =	task.clear_ibuf [dreg:s7], $0x2FFFF;
	_ =	strace $0x9FFFFFFF  }
0xc2: {  	(tm) =	ssettm $0x7FFFFFFF  }
0xc3: {  	_ =	shalt  }
tec
execute0_lowered:
.L_overlay_start_1:
0x0: {  	(tag) =	ssettag $0x1  }
0x1: {  	s2 =	rddreg [dreg:$0x0]  }
0x2: {  	s7 =	rddreg [dreg:$0x1]  }
0x3: {  	s0 =	rddreg [dreg:$0x2]  }
0x4: {  	s1 =	srdreg.scid;
	_ =	strace $0x80000047;
	s4 =	simm.s32 $0x1  }
0x5: {  	s9 =	simm.s32 $0x3;
	s12 =	simm.s32 $0x0;
	s5 =	sshll.u32 s1, $0x4  }
.Ltmp0:
0x6: {  	s1 =	stileid.u32;
	s5 =	sand.u32 $0x10, s5;
	(pc) =	sbr.rel .LBB2_1-.Ltmp0, $4  }
0x7: {  	s10 =	simm.s32 $0x0;
	s3 =	sadd.s32 $0x1000, s7;
	s6 =	sor.u32 s1, s5  }
0x8: {  	[sflag:s4] =	ssyncpa.u1 $0x0;
	s5 =	simm.s32 $0x2;
	s6 =	sshll.u32 s6, $0x7  }
0x9: {  	s7 =	sadd.s32 $0x1200, s7;
	[sflag:s5] =	ssyncpa.u1 $0x0;
	s8 =	sadd.s32 $0x80, s6  }
0xa: {  	vm0 =	vmmov $0xff;
	vm1 =	vcmask $0x3F20;
	[sflag:s9] =	ssyncpa.u1 $0x0;
	s9 =	simm.s32 $0x80;
	s11 =	smov.u32 s6  }
.LBB2_9:
0xb: {  	p0 =	seq.s32 s10, $0x2  }
.Ltmp1:
0xc: {  	_ = 	snop;
	(pc) =	sbr.rel @p0 .LBB2_11-.Ltmp1, $1  }
0xd: {  	_ =	sdelay $0x3  }
.LBB2_10:
0xe: {  	s12 =	sadd.s32 $0x80, s11  }
0xf: {  	s13 =	smov.u32 s6;
	p0 =	slt.s32 s12, s8  }
0x10: {  	s13 =	smov.u32 @p0 s12  }
0x11: {  	s10 =	sadd.s32 $0x1, s10;
	s12 =	smov.u32 s11;
	s11 =	smov.u32 s13  }
.LBB2_1:
0x12: {  	p0 =	sne.s32 s10, $0x0  }
.Ltmp2:
0x13: {  	_ = 	snop;
	(pc) =	sbr.rel @!p0 .LBB2_2-.Ltmp2, $1  }
0x14: {  	_ =	sdelay $0x3  }
0x15: {  	s13 =	sand.u32 $0x1, s10  }
0x16: {  	p0 =	seq.s32 s13, $0x0  }
.Ltmp3:
0x17: {  	_ = 	snop;
	(pc) =	sbr.rel @p0 .LBB2_9-.Ltmp3, $1  }
0x18: {  	_ =	sdelay $0x3  }
0x19: {  	_ =	swait.ge [sflag:s5], $0x80  }
0x1a: {  	[sflag:s5] =	ssyncset.done $0x0  }
0x1b: {  	s13 =	simm.s32 $0x0;
	[sflag:s5] =	ssyncadd.s32 $0xFFFFFF80  }
0x1c: {  	v0 =	vld.msk [tilespmem:s13+$0x80 ss:$0x1], $0xffff;
	_ =	sdelay $0x4  }
0x1d: {  	vm2 =	vgt.s32 v0, $0x0  }
0x1e: {  	v0 =	vnsel vm2, $0x0, v0  }
0x1f: {  	v0 =	vmin.u32 v0, $0x1869E  }
0x20: {  	v0 =	vshll.u32 v0, $0x4;
	_ =	sdelay $0x3  }
0x21: {  	s13 =	simm.s32 $0x4100  }
0x22: {  	[tilespmem:s13], [sflag:$0x1] =	stream.indirect_vreg.gather [hbm:s2], $0x80, v0, vm0, $0x38;
	[tilespmem:$0x8100] =	vst v63  }
0x23: {  	s14 =	simm.s32 $0x4500;
	s31 =	simm.s32 $0x10  }
0x24: {  	[tilespmem:s14], [sflag:$0x1] =	stream.indirect_vreg.gather [hbm:s2], $0x80, v0, vm1, $0x38;
	[tilespmem:$0x8100] =	vst v63  }
0x25: {  	s14 =	simm.s32 $0x80;
	v0 =	vld.msk [tilespmem:s31+$0x80 ss:$0x1], $0xffff  }
.LBB2_5:
0x26: {  	p0 =	sne.s32 s14, $0x1C0;
	_ =	sdelay $0x4  }
0x27: {  	vm2 =	vgt.s32 v0, $0x0  }
0x28: {  	v0 =	vnsel vm2, $0x0, v0  }
0x29: {  	v0 =	vmin.u32 v0, $0x1869E  }
0x2a: {  	v0 =	vshll.u32 v0, $0x4;
	_ =	sdelay $0x3  }
.Ltmp4:
0x2b: {  	s13 =	sadd.s32 $0x800, s13;
	(pc) =	sbr.rel @p0 .LBB2_5-.Ltmp4, $4  }
0x2c: {  	[tilespmem:s13], [sflag:$0x1] =	stream.indirect_vreg.gather [hbm:s2], $0x80, v0, vm0, $0x38;
	[tilespmem:$0x8100] =	vst v63  }
0x2d: {  	s15 =	sshra.s32 s14, $0x2;
	s16 =	sadd.s32 $0x400, s13  }
0x2e: {  	[tilespmem:s16], [sflag:$0x1] =	stream.indirect_vreg.gather [hbm:s2], $0x80, v0, vm1, $0x38;
	[tilespmem:$0x8100] =	vst v63  }
0x2f: {  	s14 =	sadd.s32 $0x40, s14;
	v0 =	vld.msk [tilespmem:s15+$0x80 ss:$0x1], $0xffff  }
0x30: {  	_ =	sdelay $0x3  }
0x31: {  	vm2 =	vgt.s32 v0, $0x0  }
0x32: {  	v0 =	vnsel vm2, $0x0, v0  }
0x33: {  	v0 =	vmin.u32 v0, $0x1869E  }
0x34: {  	v0 =	vshll.u32 v0, $0x4;
	_ =	sdelay $0x3  }
0x35: {  	s13 =	sadd.s32 $0x800, s13  }
0x36: {  	[tilespmem:s13], [sflag:$0x1] =	stream.indirect_vreg.gather [hbm:s2], $0x80, v0, vm0, $0x38;
	[tilespmem:$0x8100] =	vst v63  }
0x37: {  	s13 =	sadd.s32 $0x400, s13  }
0x38: {  	[tilespmem:s13], [sflag:$0x1] =	stream.indirect_vreg.gather [hbm:s2], $0x80, v0, vm1, $0x38;
	[tilespmem:$0x8100] =	vst v63  }
0x39: {  	s12 =	sshll.u32 s12, $0x4;
	s14 =	simm.s32 $0x80;
	_ =	swait.ge [sflag:s4], $0x4000  }
0x3a: {  	s15 =	simm.s32 $0x4500;
	s12 =	sadd.s32 s12, s7;
	[sflag:s4] =	ssyncset.done $0x0  }
0x3b: {  	s16 =	sadd.s32 $0x0, s12;
	s13 =	simm.s32 $0x4100;
	[sflag:s4] =	ssyncadd.s32 $0xFFFFC000  }
.LBB2_7:
0x3c: {  	[hbm:s16] =	stream.linear.scatter [tilespmem:s13], [sflag:$0x3], $0x400, $0x38;
	[tilespmem:$0x8100] =	vst v63  }
0x3d: {  	s16 =	smov.u32 s14;
	s13 =	smov.u32 s15;
	p0 =	sne.s32 s14, $0x780  }
.Ltmp5:
0x3e: {  	s14 =	sadd.s32 $0x80, s14;
	(pc) =	sbr.rel @p0 .LBB2_7-.Ltmp5, $2  }
0x3f: {  	_ =	sdelay $0x2  }
0x40: {  	s15 =	sadd.s32 $0x400, s15;
	s16 =	sadd.s32 s16, s12  }
.Ltmp6:
0x41: {  	(pc) =	sbr.rel .LBB2_9-.Ltmp6, $2  }
0x42: {  	_ =	sdelay $0x2  }
0x43: {  	[hbm:s16] =	stream.linear.scatter [tilespmem:s13], [sflag:$0x3], $0x400, $0x38;
	[tilespmem:$0x8100] =	vst v63  }
.LBB2_2:
.Ltmp7:
0x44: {  	(pc) =	sbr.rel .LBB2_10-.Ltmp7, $4  }
0x45: {  	_ = 	snop  }
0x46: {  	s12 =	sshrl.u32 s11, $0x3  }
0x47: {  	s13 =	sand.u32 $0x7, s11;
	s12 =	sadd.s32 s3, s12  }
0x48: {  	[tilespmem:s9], [sflag:$0x2] =	stream.linear.gather [hbm4b:s12+s13], $0x80, $0x38;
	[tilespmem:$0x8100] =	vst v63  }
.LBB2_11:
0x49: {  	s2 =	simm.s32 $0x3  }
0x4a: {  	_ =	swait.ge [sflag:s2], $0x4000  }
0x4b: {  	[sflag:s2] =	ssyncset.done $0x0  }
0x4c: {  	[sflag:s2] =	ssyncadd.s32 $0xFFFFC000  }
0x4d: {  	_ =	sfence.sel $0x180000  }
0x4e: {  	s3 =	simm.s32 $0x2;
	[bflag:$0x0] =	sbarrier.arrive $0xFFFF  }
0x4f: {  	[sflag:s3] =	ssyncpa.u1 $0x1  }
0x50: {  	s31 =	simm.s32 $0x1;
	[sflag:s2] =	ssyncpa.u1 $0x1  }
0x51: {  	[sflag:s31] =	ssyncpa.u1 $0x1  }
0x52: {  	p0 =	sne.s32 s1, $0x0;
	_ =	strace $0x90000047  }
0x53: {  	s0 =	sadd.s32 @!p0 $0x100000, s0;
	[bflag:$0x2] =	sbarrier.arrive $0xFFFF  }
0x54: {  	[sflag:s0] =	ssyncadd.tile.s32 @!p0 $0x1;
	_ =	shalt  }
.Lfunc_end2:
_tile_overlayer_lowered:
.L_overlay_start_2:
0x55: {  	(tag) =	ssettag $0x2  }
0x56: {  	s0 =	rddreg [dreg:$0x0];
	s2 =	stileid.u32  }
0x57: {  	s1 =	rddreg [dreg:$0x1];
	p0 =	sne.s32 s2, $0x0  }
0x58: {  	s3 =	rddreg [dreg:$0x2];
	[bflag:$0x3] =	sbarrier.arrive $0xFFFF;
	s2 =	simm.s32 @!p0 $0x1C01  }
0x59: {  	[timem:s3], [sflag:s2] =	dma.local @!p0 [hbm:s0], s1  }
0x5a: {  	s0 =	simm.s32 @!p0 $0x1  }
0x5b: {  	_ =	swait.ge @!p0 [sflag:s0], s1  }
0x5c: {  	s1 =	ssub.s32 @!p0 $0x0, s1;
	[sflag:s0] =	ssyncset.done @!p0 $0x0  }
0x5d: {  	[sflag:s0] =	ssyncadd.s32 @!p0 s1  }
0x5e: {  	[bflag:$0x3] =	sbarrier.arrive $0xFFFF  }
0x5f: {  	_ =	shalt  }

</sc_bundles>
